<compile_context>
chip_gen: v7x
topology: tpu7x:2x2x1
jax: 0.10.2.dev20260603
libtpu: 0.0.44.dev20260713+nightly
codegen_flags: <defaults>
</compile_context>

<pallas_src>
import functools

import jax
import jax.numpy as jnp
from jax import lax
from jax.experimental import pallas as pl
from jax.experimental.pallas import tpu as pltpu
from jax.experimental.pallas import tpu_sc as plsc

VOCAB = 30522
HID = 768
B = 1024
L = 50
LP = 64
NC, NS = 2, 16
NW = NC * NS
SEQ_W = B // NW
ROWS_W = SEQ_W * L
CH = 64
NCH = ROWS_W // CH
HG = HID // 16


def _sc_body(ids_hbm, mask_hbm, table_hbm, out_hbm, pool_hbm,
             ids_v, mask_v, rows_v, pool_sh, dsti_v, vlen_s, gsem, osem):
    c = lax.axis_index("c")
    s = lax.axis_index("s")
    wid = s * NC + c
    b0 = wid * SEQ_W
    r0 = wid * ROWS_W

    pltpu.sync_copy(ids_hbm.at[pl.ds(r0, ROWS_W)], ids_v)
    pltpu.sync_copy(mask_hbm.at[pl.ds(b0, SEQ_W)], mask_v)

    @pl.loop(0, SEQ_W)
    def _vlen(i):
        sv = mask_v[i, pl.ds(0, 16)]
        for j in range(1, LP // 16):
            sv = sv + mask_v[i, pl.ds(j * 16, 16)]
        acc = sv[0]
        for k in range(1, 16):
            acc = acc + sv[k]
        vlen_s[i] = acc

    pb = s * (SEQ_W + 1)

    @pl.loop(0, SEQ_W + 1)
    def _zero(i):
        @pl.loop(0, HG)
        def _zh(h):
            rows_v[0, i, pl.ds(h * 16, 16)] = jnp.zeros((16,), jnp.float32)

    pltpu.sync_copy(
        rows_v.at[0, pl.ds(0, SEQ_W + 1)], pool_sh.at[pl.ds(pb, SEQ_W + 1)]
    )

    def start_g(k, b):
        pltpu.async_copy(
            table_hbm.at[ids_v.at[pl.ds(k * CH, CH)]], rows_v.at[b], gsem
        )

    def start_o(k, b):
        pltpu.async_copy(
            rows_v.at[b], out_hbm.at[pl.ds(r0 + k * CH, CH)], osem
        )

    def wait_chunk(sem, b):
        pltpu.make_async_copy(
            out_hbm.at[pl.ds(0, CH)], rows_v.at[b], sem
        ).wait()

    def pool(k, b):
        base = k * CH
        sa = base // L
        sb = jnp.minimum(sa + 1, SEQ_W - 1)
        sc2 = jnp.minimum(sa + 2, SEQ_W - 1)
        va = vlen_s[sa]
        vb = vlen_s[sb]
        vc = vlen_s[sc2]
        lane = lax.iota(jnp.int32, 16)
        for off in (0, 16, 32, 48):
            g = lane + (base + off)
            seq = lax.shift_right_logical(g * 1311, 16)
            pos = g - seq * L
            vl = jnp.where(seq > sa, jnp.where(seq > sb, vc, vb), va)
            dst = jnp.where(pos < vl, seq, SEQ_W) + pb
            dsti_v[b, pl.ds(off, 16)] = dst
        pltpu.sync_copy(rows_v.at[b], pool_sh.at[dsti_v.at[b]], add=True)

    start_g(0, 0)

    @pl.loop(0, NCH - 1, step=2)
    def _pair(k):
        start_g(k + 1, 1)
        wait_chunk(gsem, 0)
        start_o(k, 0)
        pool(k, 0)
        wait_chunk(gsem, 1)
        start_o(k + 1, 1)
        pool(k + 1, 1)
        wait_chunk(osem, 0)
        start_g(k + 2, 0)
        wait_chunk(osem, 1)

    kf = NCH - 1
    wait_chunk(gsem, 0)
    start_o(kf, 0)
    pool(kf, 0)
    wait_chunk(osem, 0)

    pltpu.sync_copy(
        pool_sh.at[pl.ds(pb, SEQ_W)], pool_hbm.at[pl.ds(b0, SEQ_W)]
    )


_sc_call = functools.partial(
    pl.kernel,
    out_type=(
        jax.ShapeDtypeStruct((B * L, HID), jnp.float32),
        jax.ShapeDtypeStruct((B, HID), jnp.float32),
    ),
    mesh=plsc.VectorSubcoreMesh(
        core_axis_name="c", subcore_axis_name="s",
        num_cores=NC, num_subcores=NS,
    ),
    scratch_types=[
        pltpu.VMEM((ROWS_W,), jnp.int32),
        pltpu.VMEM((SEQ_W, LP), jnp.int32),
        pltpu.VMEM((2, CH, HID), jnp.float32),
        pltpu.VMEM_SHARED((NS * (SEQ_W + 1), HID), jnp.float32),
        pltpu.VMEM((2, CH), jnp.int32),
        pltpu.SMEM((SEQ_W,), jnp.int32),
        pltpu.SemaphoreType.DMA,
        pltpu.SemaphoreType.DMA,
    ],
    compiler_params=pltpu.CompilerParams(use_tc_tiling_on_sc=False),
)(_sc_body)


def kernel(input_ids, attn_mask, table):
    ids_flat = input_ids.reshape(B * L)
    mask_p = jnp.zeros((B, LP), jnp.int32).at[:, :L].set(attn_mask)
    out_flat, pool = _sc_call(ids_flat, mask_p, table)
    return out_flat.reshape(B, L, HID), pool

# --- scband reference (transcript-rebuilt; emitter-appended) ---
"""Pipeline reference for scband-one-hot-40261023433064 (READ-ONLY COPY).

The authoritative reference and input builder live on the scoring server;
editing this copy changes nothing except your own understanding.
"""

import jax, jax.numpy as jnp
import numpy as np

VOCAB = 30522  # bert-base-uncased vocab_size
HID = 768      # bert-base-uncased hidden_size
B = 1024
L = 50


def setup_inputs(seed: int = 0) -> dict:
    key = jax.random.key(seed)
    k1, k2 = jax.random.split(key)
    input_ids = jax.random.randint(k1, (B, L), 0, VOCAB, dtype=jnp.int32)
    attn_mask = jnp.ones((B, L), dtype=jnp.int32)
    table = jax.random.normal(k2, (VOCAB, HID), dtype=jnp.float32) * 0.02
    return {"input_ids": input_ids, "attn_mask": attn_mask, "table": table}


def reference(input_ids, attn_mask, table):
    # nn.Embedding lookup -> gather rows from table
    last_hidden_state = jnp.take(table, input_ids, axis=0)  # [B, L, H]
    # valid_length = attn_mask.sum(dim=1)
    valid_length = attn_mask.sum(axis=1)  # [B]
    # pooler_output = stack([t[:valid_length[i]].sum(0) for i, t in ...])
    # Implemented jit-friendly: prefix mask based on valid_length.
    pos = jnp.arange(last_hidden_state.shape[1])  # [L]
    prefix_mask = (pos[None, :] < valid_length[:, None]).astype(last_hidden_state.dtype)  # [B, L]
    pooler_output = jnp.sum(last_hidden_state * prefix_mask[:, :, None], axis=1)  # [B, H]
    return last_hidden_state, pooler_output

if __name__ == "__main__":
    import jax
    _d = setup_inputs()
    print(jax.jit(kernel)(*tuple(_d.values())))

</pallas_src>

<mosaic_0001>
#map = affine_map<(d0, d1) -> (0)>
#map1 = affine_map<(d0, d1) -> (0, 0)>
module attributes {stable_mosaic.version = 14 : i64} {
  func.func @_sc_body(%arg0: i32, %arg1: i32, %arg2: memref<51200xi32, #tpu.memory_space<hbm>>, %arg3: memref<1024x64xi32, #tpu.memory_space<hbm>>, %arg4: memref<30522x768xf32, #tpu.memory_space<hbm>>, %arg5: memref<51200x768xf32, #tpu.memory_space<hbm>>, %arg6: memref<1024x768xf32, #tpu.memory_space<hbm>>, %arg7: memref<1600xi32, #tpu.memory_space<vmem>>, %arg8: memref<32x64xi32, #tpu.memory_space<vmem>>, %arg9: memref<2x64x768xf32, #tpu.memory_space<vmem>>, %arg10: memref<528x768xf32, #tpu.memory_space<vmem_shared>>, %arg11: memref<2x64xi32, #tpu.memory_space<vmem>>, %arg12: memref<32xi32, #tpu.memory_space<smem>>, %arg13: memref<!tpu.dma_semaphore, #tpu.memory_space<semaphore_mem>>, %arg14: memref<!tpu.dma_semaphore, #tpu.memory_space<semaphore_mem>>) attributes {dimension_semantics = [#tpu.dimension_semantics<core_parallel>, #tpu.dimension_semantics<subcore_parallel>], iteration_bounds = array<i64: 2, 16>, scalar_prefetch = 0 : i64, scratch_operands = 8 : i64, tpu.core_type = #tpu.core_type<sc_vector_subcore>, window_params = [{transform_indices = #map}, {transform_indices = #map1}, {transform_indices = #map1}, {transform_indices = #map1}, {transform_indices = #map1}]} {
    %mul3A = arith.constant 2 : i32
    %mul3A_0 = arith.muli %arg1, %mul3A : i32
    %add3A = arith.addi %mul3A_0, %arg0 : i32
    %mul3A_1 = arith.constant 32 : i32
    %mul3A_2 = arith.muli %add3A, %mul3A_1 : i32
    %mul3A_3 = arith.constant 1600 : i32
    %mul3A_4 = arith.muli %add3A, %mul3A_3 : i32
    "tpu.region"() ({
      %run_scoped3A_219 = tpu.sem_alloc : memref<!tpu.dma_semaphore, #tpu.memory_space<semaphore_mem>>
      %dma_start3A_220 = tpu.memref_slice %arg2[%mul3A_4] : memref<51200xi32, #tpu.memory_space<hbm>> -> memref<1600xi32, #tpu.memory_space<hbm>>
      %dma_start3A_221 = tpu.memref_slice %arg2[%mul3A_4] : memref<51200xi32, #tpu.memory_space<hbm>> -> memref<1600xi32, #tpu.memory_space<hbm>>
      tpu.enqueue_dma source(%dma_start3A_221 : memref<1600xi32, #tpu.memory_space<hbm>>) target(%arg7 : memref<1600xi32, #tpu.memory_space<vmem>>) target_semaphore(%run_scoped3A_219 : memref<!tpu.dma_semaphore, #tpu.memory_space<semaphore_mem>>)
      %dma_wait3A_222 = tpu.memref_slice %arg2[%mul3A_4] : memref<51200xi32, #tpu.memory_space<hbm>> -> memref<1600xi32, #tpu.memory_space<hbm>>
      %dma_wait3A_223 = tpu.memref_slice %arg2[%mul3A_4] : memref<51200xi32, #tpu.memory_space<hbm>> -> memref<1600xi32, #tpu.memory_space<hbm>>
      tpu.wait_dma2 semaphore(%run_scoped3A_219 : memref<!tpu.dma_semaphore, #tpu.memory_space<semaphore_mem>>) src(%dma_wait3A_223 : memref<1600xi32, #tpu.memory_space<hbm>>) dst(%arg7 : memref<1600xi32, #tpu.memory_space<vmem>>)
      tpu.yield
    }) : () -> ()
    "tpu.region"() ({
      %run_scoped3A_219 = tpu.sem_alloc : memref<!tpu.dma_semaphore, #tpu.memory_space<semaphore_mem>>
      %dma_start3A_220 = arith.constant 0 : i32
      %dma_start3A_221 = tpu.memref_slice %arg3[%mul3A_2, %dma_start3A_220] : memref<1024x64xi32, #tpu.memory_space<hbm>> -> memref<32x64xi32, #tpu.memory_space<hbm>>
      %dma_start3A_222 = arith.constant 0 : i32
      %dma_start3A_223 = tpu.memref_slice %arg3[%mul3A_2, %dma_start3A_222] : memref<1024x64xi32, #tpu.memory_space<hbm>> -> memref<32x64xi32, #tpu.memory_space<hbm>>
      tpu.enqueue_dma source(%dma_start3A_223 : memref<32x64xi32, #tpu.memory_space<hbm>>) target(%arg8 : memref<32x64xi32, #tpu.memory_space<vmem>>) target_semaphore(%run_scoped3A_219 : memref<!tpu.dma_semaphore, #tpu.memory_space<semaphore_mem>>)
      %dma_wait3A_224 = arith.constant 0 : i32
      %dma_wait3A_225 = tpu.memref_slice %arg3[%mul3A_2, %dma_wait3A_224] : memref<1024x64xi32, #tpu.memory_space<hbm>> -> memref<32x64xi32, #tpu.memory_space<hbm>>
      %dma_wait3A_226 = arith.constant 0 : i32
      %dma_wait3A_227 = tpu.memref_slice %arg3[%mul3A_2, %dma_wait3A_226] : memref<1024x64xi32, #tpu.memory_space<hbm>> -> memref<32x64xi32, #tpu.memory_space<hbm>>
      tpu.wait_dma2 semaphore(%run_scoped3A_219 : memref<!tpu.dma_semaphore, #tpu.memory_space<semaphore_mem>>) src(%dma_wait3A_227 : memref<32x64xi32, #tpu.memory_space<hbm>>) dst(%arg8 : memref<32x64xi32, #tpu.memory_space<vmem>>)
      tpu.yield
    }) : () -> ()
    %scan3A = arith.constant 0 : i32
    %scan3A_5 = arith.constant 32 : i32
    %scan3A_6 = arith.addi %scan3A, %scan3A_5 : i32
    %scan3A_7 = arith.constant 1 : i32
    scf.for %scan3A_219 = %scan3A to %scan3A_6 step %scan3A_7  : i32 {
      %mul3A_220 = arith.constant 1 : i32
      %mul3A_221 = arith.muli %scan3A_219, %mul3A_220 : i32
      %add3A_222 = arith.constant 0 : i32
      %add3A_223 = arith.addi %add3A_222, %mul3A_221 : i32
      %get3A_224 = arith.index_cast %add3A_223 : i32 to index
      %get3A_225 = arith.constant 0 : index
      %get3A_226 = tpu.vector_load %arg8[%get3A_224, %get3A_225] {strides = array<i32>} : memref<32x64xi32, #tpu.memory_space<vmem>>, vector<1x16xi32>,
      %get3A_227 = vector.shape_cast %get3A_226 : vector<1x16xi32> to vector<16xi32>
      %get3A_228 = arith.index_cast %add3A_223 : i32 to index
      %get3A_229 = arith.constant 16 : index
      %get3A_230 = tpu.vector_load %arg8[%get3A_228, %get3A_229] {strides = array<i32>} : memref<32x64xi32, #tpu.memory_space<vmem>>, vector<1x16xi32>,
      %get3A_231 = vector.shape_cast %get3A_230 : vector<1x16xi32> to vector<16xi32>
      %add3A_232 = arith.addi %get3A_227, %get3A_231 : vector<16xi32>
      %get3A_233 = arith.index_cast %add3A_223 : i32 to index
      %get3A_234 = arith.constant 32 : index
      %get3A_235 = tpu.vector_load %arg8[%get3A_233, %get3A_234] {strides = array<i32>} : memref<32x64xi32, #tpu.memory_space<vmem>>, vector<1x16xi32>,
      %get3A_236 = vector.shape_cast %get3A_235 : vector<1x16xi32> to vector<16xi32>
      %add3A_237 = arith.addi %add3A_232, %get3A_236 : vector<16xi32>
      %get3A_238 = arith.index_cast %add3A_223 : i32 to index
      %get3A_239 = arith.constant 48 : index
      %get3A_240 = tpu.vector_load %arg8[%get3A_238, %get3A_239] {strides = array<i32>} : memref<32x64xi32, #tpu.memory_space<vmem>>, vector<1x16xi32>,
      %get3A_241 = vector.shape_cast %get3A_240 : vector<1x16xi32> to vector<16xi32>
      %add3A_242 = arith.addi %add3A_237, %get3A_241 : vector<16xi32>
      %slice3A = vector.extract_strided_slice %add3A_242 {offsets = [0], sizes = [1], strides = [1]} : vector<16xi32> to vector<1xi32>
      %squeeze3A = vector.extract %slice3A[0] : i32 from vector<1xi32>
      %slice3A_243 = vector.extract_strided_slice %add3A_242 {offsets = [1], sizes = [1], strides = [1]} : vector<16xi32> to vector<1xi32>
      %squeeze3A_244 = vector.extract %slice3A_243[0] : i32 from vector<1xi32>
      %add3A_245 = arith.addi %squeeze3A, %squeeze3A_244 : i32
      %slice3A_246 = vector.extract_strided_slice %add3A_242 {offsets = [2], sizes = [1], strides = [1]} : vector<16xi32> to vector<1xi32>
      %squeeze3A_247 = vector.extract %slice3A_246[0] : i32 from vector<1xi32>
      %add3A_248 = arith.addi %add3A_245, %squeeze3A_247 : i32
      %slice3A_249 = vector.extract_strided_slice %add3A_242 {offsets = [3], sizes = [1], strides = [1]} : vector<16xi32> to vector<1xi32>
      %squeeze3A_250 = vector.extract %slice3A_249[0] : i32 from vector<1xi32>
      %add3A_251 = arith.addi %add3A_248, %squeeze3A_250 : i32
      %slice3A_252 = vector.extract_strided_slice %add3A_242 {offsets = [4], sizes = [1], strides = [1]} : vector<16xi32> to vector<1xi32>
      %squeeze3A_253 = vector.extract %slice3A_252[0] : i32 from vector<1xi32>
      %add3A_254 = arith.addi %add3A_251, %squeeze3A_253 : i32
      %slice3A_255 = vector.extract_strided_slice %add3A_242 {offsets = [5], sizes = [1], strides = [1]} : vector<16xi32> to vector<1xi32>
      %squeeze3A_256 = vector.extract %slice3A_255[0] : i32 from vector<1xi32>
      %add3A_257 = arith.addi %add3A_254, %squeeze3A_256 : i32
      %slice3A_258 = vector.extract_strided_slice %add3A_242 {offsets = [6], sizes = [1], strides = [1]} : vector<16xi32> to vector<1xi32>
      %squeeze3A_259 = vector.extract %slice3A_258[0] : i32 from vector<1xi32>
      %add3A_260 = arith.addi %add3A_257, %squeeze3A_259 : i32
      %slice3A_261 = vector.extract_strided_slice %add3A_242 {offsets = [7], sizes = [1], strides = [1]} : vector<16xi32> to vector<1xi32>
      %squeeze3A_262 = vector.extract %slice3A_261[0] : i32 from vector<1xi32>
      %add3A_263 = arith.addi %add3A_260, %squeeze3A_262 : i32
      %slice3A_264 = vector.extract_strided_slice %add3A_242 {offsets = [8], sizes = [1], strides = [1]} : vector<16xi32> to vector<1xi32>
      %squeeze3A_265 = vector.extract %slice3A_264[0] : i32 from vector<1xi32>
      %add3A_266 = arith.addi %add3A_263, %squeeze3A_265 : i32
      %slice3A_267 = vector.extract_strided_slice %add3A_242 {offsets = [9], sizes = [1], strides = [1]} : vector<16xi32> to vector<1xi32>
      %squeeze3A_268 = vector.extract %slice3A_267[0] : i32 from vector<1xi32>
      %add3A_269 = arith.addi %add3A_266, %squeeze3A_268 : i32
      %slice3A_270 = vector.extract_strided_slice %add3A_242 {offsets = [10], sizes = [1], strides = [1]} : vector<16xi32> to vector<1xi32>
      %squeeze3A_271 = vector.extract %slice3A_270[0] : i32 from vector<1xi32>
      %add3A_272 = arith.addi %add3A_269, %squeeze3A_271 : i32
      %slice3A_273 = vector.extract_strided_slice %add3A_242 {offsets = [11], sizes = [1], strides = [1]} : vector<16xi32> to vector<1xi32>
      %squeeze3A_274 = vector.extract %slice3A_273[0] : i32 from vector<1xi32>
      %add3A_275 = arith.addi %add3A_272, %squeeze3A_274 : i32
      %slice3A_276 = vector.extract_strided_slice %add3A_242 {offsets = [12], sizes = [1], strides = [1]} : vector<16xi32> to vector<1xi32>
      %squeeze3A_277 = vector.extract %slice3A_276[0] : i32 from vector<1xi32>
      %add3A_278 = arith.addi %add3A_275, %squeeze3A_277 : i32
      %slice3A_279 = vector.extract_strided_slice %add3A_242 {offsets = [13], sizes = [1], strides = [1]} : vector<16xi32> to vector<1xi32>
      %squeeze3A_280 = vector.extract %slice3A_279[0] : i32 from vector<1xi32>
      %add3A_281 = arith.addi %add3A_278, %squeeze3A_280 : i32
      %slice3A_282 = vector.extract_strided_slice %add3A_242 {offsets = [14], sizes = [1], strides = [1]} : vector<16xi32> to vector<1xi32>
      %squeeze3A_283 = vector.extract %slice3A_282[0] : i32 from vector<1xi32>
      %add3A_284 = arith.addi %add3A_281, %squeeze3A_283 : i32
      %slice3A_285 = vector.extract_strided_slice %add3A_242 {offsets = [15], sizes = [1], strides = [1]} : vector<16xi32> to vector<1xi32>
      %squeeze3A_286 = vector.extract %slice3A_285[0] : i32 from vector<1xi32>
      %add3A_287 = arith.addi %add3A_284, %squeeze3A_286 : i32
      %swap3A_288 = arith.index_cast %add3A_223 : i32 to index
      %swap3A_289 = memref.load %arg12[%swap3A_288] : memref<32xi32, #tpu.memory_space<smem>>
      memref.store %add3A_287, %arg12[%swap3A_288] : memref<32xi32, #tpu.memory_space<smem>>
    }
    %scan3A_8 = arith.constant 32 : i32
    %mul3A_9 = arith.constant 33 : i32
    %mul3A_10 = arith.muli %arg1, %mul3A_9 : i32
    %scan3A_11 = arith.constant 0 : i32
    %scan3A_12 = arith.constant 33 : i32
    %scan3A_13 = arith.addi %scan3A_11, %scan3A_12 : i32
    %scan3A_14 = arith.constant 1 : i32
    scf.for %scan3A_219 = %scan3A_11 to %scan3A_13 step %scan3A_14  : i32 {
      %mul3A_220 = arith.constant 1 : i32
      %mul3A_221 = arith.muli %scan3A_219, %mul3A_220 : i32
      %add3A_222 = arith.constant 0 : i32
      %add3A_223 = arith.addi %add3A_222, %mul3A_221 : i32
      %scan3A_224 = arith.constant 0 : i32
      %scan3A_225 = arith.constant 48 : i32
      %scan3A_226 = arith.addi %scan3A_224, %scan3A_225 : i32
      %scan3A_227 = arith.constant 1 : i32
      scf.for %scan3A_229 = %scan3A_224 to %scan3A_226 step %scan3A_227  : i32 {
        %mul3A_230 = arith.constant 1 : i32
        %mul3A_231 = arith.muli %scan3A_229, %mul3A_230 : i32
        %add3A_232 = arith.constant 0 : i32
        %add3A_233 = arith.addi %add3A_232, %mul3A_231 : i32
        %broadcast_in_dim3A_234 = arith.constant 0.000000e+00 : f32
        %broadcast_in_dim3A_235 = vector.broadcast %broadcast_in_dim3A_234 : f32 to vector<16xf32>
        %mul3A_236 = arith.constant 16 : i32
        %mul3A_237 = arith.muli %add3A_233, %mul3A_236 : i32
        %swap3A_238 = arith.constant 0 : i32
        %swap3A_239 = arith.index_cast %swap3A_238 : i32 to index
        %swap3A_240 = arith.index_cast %add3A_223 : i32 to index
        %swap3A_241 = arith.index_cast %mul3A_237 : i32 to index
        %swap3A_242 = tpu.vector_load %arg9[%swap3A_239, %swap3A_240, %swap3A_241] {strides = array<i32>} : memref<2x64x768xf32, #tpu.memory_space<vmem>>, vector<1x1x16xf32>,
        %swap3A_243 = vector.shape_cast %swap3A_242 : vector<1x1x16xf32> to vector<16xf32>
        %swap3A_244 = vector.shape_cast %broadcast_in_dim3A_235 : vector<16xf32> to vector<1x1x16xf32>
        tpu.vector_store %arg9[%swap3A_239, %swap3A_240, %swap3A_241], %swap3A_244 {strides = array<i32>} : memref<2x64x768xf32, #tpu.memory_space<vmem>>, vector<1x1x16xf32>,
      }
      %scan3A_228 = arith.constant 48 : i32
    }
    %scan3A_15 = arith.constant 33 : i32
    %run_scoped3A = arith.constant 0 : i32
    "tpu.region"() ({
      %run_scoped3A_219 = tpu.sem_alloc : memref<!tpu.dma_semaphore, #tpu.memory_space<semaphore_mem>>
      %dma_start3A_220 = arith.constant 0 : i32
      %dma_start3A_221 = arith.constant 0 : i32
      %dma_start3A_222 = tpu.memref_slice %arg9[%run_scoped3A, %dma_start3A_220, %dma_start3A_221] : memref<2x64x768xf32, #tpu.memory_space<vmem>> -> memref<1x33x768xf32, #tpu.memory_space<vmem>>
      %dma_start3A_223 = tpu.memref_squeeze %dma_start3A_222 : memref<1x33x768xf32, #tpu.memory_space<vmem>> -> memref<33x768xf32, #tpu.memory_space<vmem>>
      %dma_start3A_224 = arith.constant 0 : i32
      %dma_start3A_225 = tpu.memref_slice %arg10[%mul3A_10, %dma_start3A_224] : memref<528x768xf32, #tpu.memory_space<vmem_shared>> -> memref<33x768xf32, #tpu.memory_space<vmem_shared>>
      %dma_start3A_226 = arith.constant 0 : i32
      %dma_start3A_227 = tpu.memref_slice %arg10[%mul3A_10, %dma_start3A_226] : memref<528x768xf32, #tpu.memory_space<vmem_shared>> -> memref<33x768xf32, #tpu.memory_space<vmem_shared>>
      %dma_start3A_228 = arith.constant 0 : i32
      %dma_start3A_229 = arith.constant 0 : i32
      %dma_start3A_230 = tpu.memref_slice %arg9[%run_scoped3A, %dma_start3A_228, %dma_start3A_229] : memref<2x64x768xf32, #tpu.memory_space<vmem>> -> memref<1x33x768xf32, #tpu.memory_space<vmem>>
      %dma_start3A_231 = tpu.memref_squeeze %dma_start3A_230 : memref<1x33x768xf32, #tpu.memory_space<vmem>> -> memref<33x768xf32, #tpu.memory_space<vmem>>
      tpu.enqueue_dma source(%dma_start3A_231 : memref<33x768xf32, #tpu.memory_space<vmem>>) target(%dma_start3A_227 : memref<33x768xf32, #tpu.memory_space<vmem_shared>>) target_semaphore(%run_scoped3A_219 : memref<!tpu.dma_semaphore, #tpu.memory_space<semaphore_mem>>)
      %dma_wait3A_232 = arith.constant 0 : i32
      %dma_wait3A_233 = arith.constant 0 : i32
      %dma_wait3A_234 = tpu.memref_slice %arg9[%run_scoped3A, %dma_wait3A_232, %dma_wait3A_233] : memref<2x64x768xf32, #tpu.memory_space<vmem>> -> memref<1x33x768xf32, #tpu.memory_space<vmem>>
      %dma_wait3A_235 = tpu.memref_squeeze %dma_wait3A_234 : memref<1x33x768xf32, #tpu.memory_space<vmem>> -> memref<33x768xf32, #tpu.memory_space<vmem>>
      %dma_wait3A_236 = arith.constant 0 : i32
      %dma_wait3A_237 = tpu.memref_slice %arg10[%mul3A_10, %dma_wait3A_236] : memref<528x768xf32, #tpu.memory_space<vmem_shared>> -> memref<33x768xf32, #tpu.memory_space<vmem_shared>>
      %dma_wait3A_238 = arith.constant 0 : i32
      %dma_wait3A_239 = tpu.memref_slice %arg10[%mul3A_10, %dma_wait3A_238] : memref<528x768xf32, #tpu.memory_space<vmem_shared>> -> memref<33x768xf32, #tpu.memory_space<vmem_shared>>
      %dma_wait3A_240 = arith.constant 0 : i32
      %dma_wait3A_241 = arith.constant 0 : i32
      %dma_wait3A_242 = tpu.memref_slice %arg9[%run_scoped3A, %dma_wait3A_240, %dma_wait3A_241] : memref<2x64x768xf32, #tpu.memory_space<vmem>> -> memref<1x33x768xf32, #tpu.memory_space<vmem>>
      %dma_wait3A_243 = tpu.memref_squeeze %dma_wait3A_242 : memref<1x33x768xf32, #tpu.memory_space<vmem>> -> memref<33x768xf32, #tpu.memory_space<vmem>>
      tpu.wait_dma2 semaphore(%run_scoped3A_219 : memref<!tpu.dma_semaphore, #tpu.memory_space<semaphore_mem>>) src(%dma_wait3A_243 : memref<33x768xf32, #tpu.memory_space<vmem>>) dst(%dma_wait3A_239 : memref<33x768xf32, #tpu.memory_space<vmem_shared>>)
      tpu.yield
    }) : () -> ()
    %dma_start3A = arith.constant 0 : i32
    %dma_start3A_16 = arith.constant 0 : i32
    %dma_start3A_17 = arith.constant 0 : i32
    %dma_start3A_18 = tpu.memref_slice %arg9[%dma_start3A, %dma_start3A_16, %dma_start3A_17] : memref<2x64x768xf32, #tpu.memory_space<vmem>> -> memref<1x64x768xf32, #tpu.memory_space<vmem>>
    %dma_start3A_19 = tpu.memref_squeeze %dma_start3A_18 : memref<1x64x768xf32, #tpu.memory_space<vmem>> -> memref<64x768xf32, #tpu.memory_space<vmem>>
    %dma_start3A_20 = arith.constant 0 : i32
    %dma_start3A_21 = tpu.memref_slice %arg7[%dma_start3A_20] : memref<1600xi32, #tpu.memory_space<vmem>> -> memref<64xi32, #tpu.memory_space<vmem>>
    %dma_start3A_22 = arith.constant 0 : i32
    %dma_start3A_23 = arith.constant 0 : i32
    %dma_start3A_24 = tpu.memref_slice %arg4[%dma_start3A_22, %dma_start3A_23] : memref<30522x768xf32, #tpu.memory_space<hbm>> -> memref<30522x768xf32, #tpu.memory_space<hbm>>
    tpu.enqueue_indirect_dma source(%dma_start3A_24 : memref<30522x768xf32, #tpu.memory_space<hbm>>) target(%dma_start3A_19 : memref<64x768xf32, #tpu.memory_space<vmem>>) offsets(%dma_start3A_21 : memref<64xi32, #tpu.memory_space<vmem>>) semaphore(%arg13 : memref<!tpu.dma_semaphore, #tpu.memory_space<semaphore_mem>>)
    %scan3A_25 = arith.constant 0 : i32
    %scan3A_26 = arith.constant 12 : i32
    %scan3A_27 = arith.addi %scan3A_25, %scan3A_26 : i32
    %scan3A_28 = arith.constant 1 : i32
    scf.for %scan3A_219 = %scan3A_25 to %scan3A_27 step %scan3A_28  : i32 {
      %mul3A_220 = arith.constant 2 : i32
      %mul3A_221 = arith.muli %scan3A_219, %mul3A_220 : i32
      %add3A_222 = arith.constant 0 : i32
      %add3A_223 = arith.addi %add3A_222, %mul3A_221 : i32
      %add3A_224 = arith.constant 1 : i32
      %add3A_225 = arith.addi %add3A_223, %add3A_224 : i32
      %mul3A_226 = arith.constant 64 : i32
      %mul3A_227 = arith.muli %add3A_225, %mul3A_226 : i32
      %dma_start3A_228 = arith.constant 1 : i32
      %dma_start3A_229 = arith.constant 0 : i32
      %dma_start3A_230 = arith.constant 0 : i32
      %dma_start3A_231 = tpu.memref_slice %arg9[%dma_start3A_228, %dma_start3A_229, %dma_start3A_230] : memref<2x64x768xf32, #tpu.memory_space<vmem>> -> memref<1x64x768xf32, #tpu.memory_space<vmem>>
      %dma_start3A_232 = tpu.memref_squeeze %dma_start3A_231 : memref<1x64x768xf32, #tpu.memory_space<vmem>> -> memref<64x768xf32, #tpu.memory_space<vmem>>
      %dma_start3A_233 = tpu.memref_slice %arg7[%mul3A_227] : memref<1600xi32, #tpu.memory_space<vmem>> -> memref<64xi32, #tpu.memory_space<vmem>>
      %dma_start3A_234 = arith.constant 0 : i32
      %dma_start3A_235 = arith.constant 0 : i32
      %dma_start3A_236 = tpu.memref_slice %arg4[%dma_start3A_234, %dma_start3A_235] : memref<30522x768xf32, #tpu.memory_space<hbm>> -> memref<30522x768xf32, #tpu.memory_space<hbm>>
      tpu.enqueue_indirect_dma source(%dma_start3A_236 : memref<30522x768xf32, #tpu.memory_space<hbm>>) target(%dma_start3A_232 : memref<64x768xf32, #tpu.memory_space<vmem>>) offsets(%dma_start3A_233 : memref<64xi32, #tpu.memory_space<vmem>>) semaphore(%arg13 : memref<!tpu.dma_semaphore, #tpu.memory_space<semaphore_mem>>)
      %dma_wait3A_237 = arith.constant 0 : i32
      %dma_wait3A_238 = arith.constant 0 : i32
      %dma_wait3A_239 = arith.constant 0 : i32
      %dma_wait3A_240 = tpu.memref_slice %arg9[%dma_wait3A_237, %dma_wait3A_238, %dma_wait3A_239] : memref<2x64x768xf32, #tpu.memory_space<vmem>> -> memref<1x64x768xf32, #tpu.memory_space<vmem>>
      %dma_wait3A_241 = tpu.memref_squeeze %dma_wait3A_240 : memref<1x64x768xf32, #tpu.memory_space<vmem>> -> memref<64x768xf32, #tpu.memory_space<vmem>>
      %dma_wait3A_242 = arith.constant 0 : i32
      %dma_wait3A_243 = arith.constant 0 : i32
      %dma_wait3A_244 = tpu.memref_slice %arg5[%dma_wait3A_242, %dma_wait3A_243] : memref<51200x768xf32, #tpu.memory_space<hbm>> -> memref<64x768xf32, #tpu.memory_space<hbm>>
      %dma_wait3A_245 = arith.constant 0 : i32
      %dma_wait3A_246 = arith.constant 0 : i32
      %dma_wait3A_247 = tpu.memref_slice %arg9[%dma_wait3A_237, %dma_wait3A_245, %dma_wait3A_246] : memref<2x64x768xf32, #tpu.memory_space<vmem>> -> memref<1x64x768xf32, #tpu.memory_space<vmem>>
      %dma_wait3A_248 = tpu.memref_squeeze %dma_wait3A_247 : memref<1x64x768xf32, #tpu.memory_space<vmem>> -> memref<64x768xf32, #tpu.memory_space<vmem>>
      %dma_wait3A_249 = arith.constant 0 : i32
      %dma_wait3A_250 = arith.constant 0 : i32
      %dma_wait3A_251 = tpu.memref_slice %arg5[%dma_wait3A_249, %dma_wait3A_250] : memref<51200x768xf32, #tpu.memory_space<hbm>> -> memref<64x768xf32, #tpu.memory_space<hbm>>
      tpu.wait_dma2 semaphore(%arg13 : memref<!tpu.dma_semaphore, #tpu.memory_space<semaphore_mem>>) src(%dma_wait3A_251 : memref<64x768xf32, #tpu.memory_space<hbm>>) dst(%dma_wait3A_248 : memref<64x768xf32, #tpu.memory_space<vmem>>)
      %mul3A_252 = arith.constant 64 : i32
      %mul3A_253 = arith.muli %add3A_223, %mul3A_252 : i32
      %add3A_254 = arith.addi %mul3A_4, %mul3A_253 : i32
      %dma_start3A_255 = arith.constant 0 : i32
      %dma_start3A_256 = arith.constant 0 : i32
      %dma_start3A_257 = arith.constant 0 : i32
      %dma_start3A_258 = tpu.memref_slice %arg9[%dma_start3A_255, %dma_start3A_256, %dma_start3A_257] : memref<2x64x768xf32, #tpu.memory_space<vmem>> -> memref<1x64x768xf32, #tpu.memory_space<vmem>>
      %dma_start3A_259 = tpu.memref_squeeze %dma_start3A_258 : memref<1x64x768xf32, #tpu.memory_space<vmem>> -> memref<64x768xf32, #tpu.memory_space<vmem>>
      %dma_start3A_260 = arith.constant 0 : i32
      %dma_start3A_261 = tpu.memref_slice %arg5[%add3A_254, %dma_start3A_260] : memref<51200x768xf32, #tpu.memory_space<hbm>> -> memref<64x768xf32, #tpu.memory_space<hbm>>
      %dma_start3A_262 = arith.constant 0 : i32
      %dma_start3A_263 = tpu.memref_slice %arg5[%add3A_254, %dma_start3A_262] : memref<51200x768xf32, #tpu.memory_space<hbm>> -> memref<64x768xf32, #tpu.memory_space<hbm>>
      %dma_start3A_264 = arith.constant 0 : i32
      %dma_start3A_265 = arith.constant 0 : i32
      %dma_start3A_266 = tpu.memref_slice %arg9[%dma_start3A_255, %dma_start3A_264, %dma_start3A_265] : memref<2x64x768xf32, #tpu.memory_space<vmem>> -> memref<1x64x768xf32, #tpu.memory_space<vmem>>
      %dma_start3A_267 = tpu.memref_squeeze %dma_start3A_266 : memref<1x64x768xf32, #tpu.memory_space<vmem>> -> memref<64x768xf32, #tpu.memory_space<vmem>>
      tpu.enqueue_dma source(%dma_start3A_267 : memref<64x768xf32, #tpu.memory_space<vmem>>) target(%dma_start3A_263 : memref<64x768xf32, #tpu.memory_space<hbm>>) target_semaphore(%arg14 : memref<!tpu.dma_semaphore, #tpu.memory_space<semaphore_mem>>)
      %mul3A_268 = arith.constant 64 : i32
      %mul3A_269 = arith.muli %add3A_223, %mul3A_268 : i32
      %jit3A_270 = arith.constant 50 : i32
      %div3A = arith.divsi %mul3A_269, %jit3A_270 : i32
      %sign3A = arith.constant 0 : i32
      %sign3A_271 = arith.cmpi sgt, %mul3A_269, %sign3A : i32
      %sign3A_272 = arith.extui %sign3A_271 : i1 to i32
      %sign3A_273 = arith.constant 0 : i32
      %sign3A_274 = arith.cmpi slt, %mul3A_269, %sign3A_273 : i32
      %sign3A_275 = arith.extui %sign3A_274 : i1 to i32
      %sign3A_276 = arith.subi %sign3A_272, %sign3A_275 : i32
      %sign3A_277 = arith.constant 0 : i32
      %sign3A_278 = arith.cmpi sgt, %jit3A_270, %sign3A_277 : i32
      %sign3A_279 = arith.extui %sign3A_278 : i1 to i32
      %sign3A_280 = arith.constant 0 : i32
      %sign3A_281 = arith.cmpi slt, %jit3A_270, %sign3A_280 : i32
      %sign3A_282 = arith.extui %sign3A_281 : i1 to i32
      %sign3A_283 = arith.subi %sign3A_279, %sign3A_282 : i32
      %ne3A = arith.cmpi ne, %sign3A_276, %sign3A_283 : i32
      %rem3A = arith.remsi %mul3A_269, %jit3A_270 : i32
      %ne3A_284 = arith.constant 0 : i32
      %ne3A_285 = arith.cmpi ne, %rem3A, %ne3A_284 : i32
      %and3A = arith.andi %ne3A, %ne3A_285 : i1
      %sub3A_286 = arith.constant 1 : i32
      %sub3A_287 = arith.subi %div3A, %sub3A_286 : i32
      %select_n3A_288 = arith.select %and3A, %sub3A_287, %div3A : i32
      %add3A_289 = arith.constant 1 : i32
      %add3A_290 = arith.addi %select_n3A_288, %add3A_289 : i32
      %min3A_291 = arith.constant 31 : i32
      %min3A_292 = arith.minsi %add3A_290, %min3A_291 : i32
      %add3A_293 = arith.constant 2 : i32
      %add3A_294 = arith.addi %select_n3A_288, %add3A_293 : i32
      %min3A_295 = arith.constant 31 : i32
      %min3A_296 = arith.minsi %add3A_294, %min3A_295 : i32
      %get3A_297 = arith.index_cast %select_n3A_288 : i32 to index
      %get3A_298 = memref.load %arg12[%get3A_297] : memref<32xi32, #tpu.memory_space<smem>>
      %get3A_299 = arith.index_cast %min3A_292 : i32 to index
      %get3A_300 = memref.load %arg12[%get3A_299] : memref<32xi32, #tpu.memory_space<smem>>
      %get3A_301 = arith.index_cast %min3A_296 : i32 to index
      %get3A_302 = memref.load %arg12[%get3A_301] : memref<32xi32, #tpu.memory_space<smem>>
      %iota3A_303 = tpu.iota {dimensions = array<i32: 0>} : vector<16xi32>
      %add3A_304 = arith.constant 0 : i32
      %add3A_305 = arith.addi %mul3A_269, %add3A_304 : i32
      %add3A_306 = vector.broadcast %add3A_305 : i32 to vector<16xi32>
      %add3A_307 = arith.addi %iota3A_303, %add3A_306 : vector<16xi32>
      %mul3A_308 = arith.constant 1311 : i32
      %mul3A_309 = vector.broadcast %mul3A_308 : i32 to vector<16xi32>
      %mul3A_310 = arith.muli %add3A_307, %mul3A_309 : vector<16xi32>
      %shift_right_logical3A_311 = arith.constant 16 : i32
      %shift_right_logical3A_312 = vector.broadcast %shift_right_logical3A_311 : i32 to vector<16xi32>
      %shift_right_logical3A_313 = arith.shrui %mul3A_310, %shift_right_logical3A_312 : vector<16xi32>
      %mul3A_314 = arith.constant 50 : i32
      %mul3A_315 = vector.broadcast %mul3A_314 : i32 to vector<16xi32>
      %mul3A_316 = arith.muli %shift_right_logical3A_313, %mul3A_315 : vector<16xi32>
      %sub3A_317 = arith.subi %add3A_307, %mul3A_316 : vector<16xi32>
      %gt3A_318 = vector.broadcast %select_n3A_288 : i32 to vector<16xi32>
      %gt3A_319 = arith.cmpi sgt, %shift_right_logical3A_313, %gt3A_318 : vector<16xi32>
      %gt3A_320 = vector.broadcast %min3A_292 : i32 to vector<16xi32>
      %gt3A_321 = arith.cmpi sgt, %shift_right_logical3A_313, %gt3A_320 : vector<16xi32>
      %broadcast_in_dim3A_322 = vector.broadcast %get3A_302 : i32 to vector<16xi32>
      %broadcast_in_dim3A_323 = vector.broadcast %get3A_300 : i32 to vector<16xi32>
      %select_n3A_324 = arith.select %gt3A_321, %broadcast_in_dim3A_322, %broadcast_in_dim3A_323 : vector<16xi1>, vector<16xi32>
      %broadcast_in_dim3A_325 = vector.broadcast %get3A_298 : i32 to vector<16xi32>
      %select_n3A_326 = arith.select %gt3A_319, %select_n3A_324, %broadcast_in_dim3A_325 : vector<16xi1>, vector<16xi32>
      %lt3A_327 = arith.cmpi slt, %sub3A_317, %select_n3A_326 : vector<16xi32>
      %jit3A_328 = arith.constant 32 : i32
      %broadcast_in_dim3A_329 = vector.broadcast %jit3A_328 : i32 to vector<16xi32>
      %select_n3A_330 = arith.select %lt3A_327, %shift_right_logical3A_313, %broadcast_in_dim3A_329 : vector<16xi1>, vector<16xi32>
      %add3A_331 = vector.broadcast %mul3A_10 : i32 to vector<16xi32>
      %add3A_332 = arith.addi %select_n3A_330, %add3A_331 : vector<16xi32>
      %swap3A_333 = arith.constant 0 : i32
      %swap3A_334 = arith.index_cast %swap3A_333 : i32 to index
      %swap3A_335 = arith.constant 0 : index
      %swap3A_336 = tpu.vector_load %arg11[%swap3A_334, %swap3A_335] {strides = array<i32>} : memref<2x64xi32, #tpu.memory_space<vmem>>, vector<1x16xi32>,
      %swap3A_337 = vector.shape_cast %swap3A_336 : vector<1x16xi32> to vector<16xi32>
      %swap3A_338 = vector.shape_cast %add3A_332 : vector<16xi32> to vector<1x16xi32>
      tpu.vector_store %arg11[%swap3A_334, %swap3A_335], %swap3A_338 {strides = array<i32>} : memref<2x64xi32, #tpu.memory_space<vmem>>, vector<1x16xi32>,
      %add3A_339 = arith.constant 16 : i32
      %add3A_340 = arith.addi %mul3A_269, %add3A_339 : i32
      %add3A_341 = vector.broadcast %add3A_340 : i32 to vector<16xi32>
      %add3A_342 = arith.addi %iota3A_303, %add3A_341 : vector<16xi32>
      %mul3A_343 = arith.constant 1311 : i32
      %mul3A_344 = vector.broadcast %mul3A_343 : i32 to vector<16xi32>
      %mul3A_345 = arith.muli %add3A_342, %mul3A_344 : vector<16xi32>
      %shift_right_logical3A_346 = arith.constant 16 : i32
      %shift_right_logical3A_347 = vector.broadcast %shift_right_logical3A_346 : i32 to vector<16xi32>
      %shift_right_logical3A_348 = arith.shrui %mul3A_345, %shift_right_logical3A_347 : vector<16xi32>
      %mul3A_349 = arith.constant 50 : i32
      %mul3A_350 = vector.broadcast %mul3A_349 : i32 to vector<16xi32>
      %mul3A_351 = arith.muli %shift_right_logical3A_348, %mul3A_350 : vector<16xi32>
      %sub3A_352 = arith.subi %add3A_342, %mul3A_351 : vector<16xi32>
      %gt3A_353 = vector.broadcast %select_n3A_288 : i32 to vector<16xi32>
      %gt3A_354 = arith.cmpi sgt, %shift_right_logical3A_348, %gt3A_353 : vector<16xi32>
      %gt3A_355 = vector.broadcast %min3A_292 : i32 to vector<16xi32>
      %gt3A_356 = arith.cmpi sgt, %shift_right_logical3A_348, %gt3A_355 : vector<16xi32>
      %broadcast_in_dim3A_357 = vector.broadcast %get3A_302 : i32 to vector<16xi32>
      %broadcast_in_dim3A_358 = vector.broadcast %get3A_300 : i32 to vector<16xi32>
      %select_n3A_359 = arith.select %gt3A_356, %broadcast_in_dim3A_357, %broadcast_in_dim3A_358 : vector<16xi1>, vector<16xi32>
      %broadcast_in_dim3A_360 = vector.broadcast %get3A_298 : i32 to vector<16xi32>
      %select_n3A_361 = arith.select %gt3A_354, %select_n3A_359, %broadcast_in_dim3A_360 : vector<16xi1>, vector<16xi32>
      %lt3A_362 = arith.cmpi slt, %sub3A_352, %select_n3A_361 : vector<16xi32>
      %jit3A_363 = arith.constant 32 : i32
      %broadcast_in_dim3A_364 = vector.broadcast %jit3A_363 : i32 to vector<16xi32>
      %select_n3A_365 = arith.select %lt3A_362, %shift_right_logical3A_348, %broadcast_in_dim3A_364 : vector<16xi1>, vector<16xi32>
      %add3A_366 = vector.broadcast %mul3A_10 : i32 to vector<16xi32>
      %add3A_367 = arith.addi %select_n3A_365, %add3A_366 : vector<16xi32>
      %swap3A_368 = arith.constant 0 : i32
      %swap3A_369 = arith.index_cast %swap3A_368 : i32 to index
      %swap3A_370 = arith.constant 16 : index
      %swap3A_371 = tpu.vector_load %arg11[%swap3A_369, %swap3A_370] {strides = array<i32>} : memref<2x64xi32, #tpu.memory_space<vmem>>, vector<1x16xi32>,
      %swap3A_372 = vector.shape_cast %swap3A_371 : vector<1x16xi32> to vector<16xi32>
      %swap3A_373 = vector.shape_cast %add3A_367 : vector<16xi32> to vector<1x16xi32>
      tpu.vector_store %arg11[%swap3A_369, %swap3A_370], %swap3A_373 {strides = array<i32>} : memref<2x64xi32, #tpu.memory_space<vmem>>, vector<1x16xi32>,
      %add3A_374 = arith.constant 32 : i32
      %add3A_375 = arith.addi %mul3A_269, %add3A_374 : i32
      %add3A_376 = vector.broadcast %add3A_375 : i32 to vector<16xi32>
      %add3A_377 = arith.addi %iota3A_303, %add3A_376 : vector<16xi32>
      %mul3A_378 = arith.constant 1311 : i32
      %mul3A_379 = vector.broadcast %mul3A_378 : i32 to vector<16xi32>
      %mul3A_380 = arith.muli %add3A_377, %mul3A_379 : vector<16xi32>
      %shift_right_logical3A_381 = arith.constant 16 : i32
      %shift_right_logical3A_382 = vector.broadcast %shift_right_logical3A_381 : i32 to vector<16xi32>
      %shift_right_logical3A_383 = arith.shrui %mul3A_380, %shift_right_logical3A_382 : vector<16xi32>
      %mul3A_384 = arith.constant 50 : i32
      %mul3A_385 = vector.broadcast %mul3A_384 : i32 to vector<16xi32>
      %mul3A_386 = arith.muli %shift_right_logical3A_383, %mul3A_385 : vector<16xi32>
      %sub3A_387 = arith.subi %add3A_377, %mul3A_386 : vector<16xi32>
      %gt3A_388 = vector.broadcast %select_n3A_288 : i32 to vector<16xi32>
      %gt3A_389 = arith.cmpi sgt, %shift_right_logical3A_383, %gt3A_388 : vector<16xi32>
      %gt3A_390 = vector.broadcast %min3A_292 : i32 to vector<16xi32>
      %gt3A_391 = arith.cmpi sgt, %shift_right_logical3A_383, %gt3A_390 : vector<16xi32>
      %broadcast_in_dim3A_392 = vector.broadcast %get3A_302 : i32 to vector<16xi32>
      %broadcast_in_dim3A_393 = vector.broadcast %get3A_300 : i32 to vector<16xi32>
      %select_n3A_394 = arith.select %gt3A_391, %broadcast_in_dim3A_392, %broadcast_in_dim3A_393 : vector<16xi1>, vector<16xi32>
      %broadcast_in_dim3A_395 = vector.broadcast %get3A_298 : i32 to vector<16xi32>
      %select_n3A_396 = arith.select %gt3A_389, %select_n3A_394, %broadcast_in_dim3A_395 : vector<16xi1>, vector<16xi32>
      %lt3A_397 = arith.cmpi slt, %sub3A_387, %select_n3A_396 : vector<16xi32>
      %jit3A_398 = arith.constant 32 : i32
      %broadcast_in_dim3A_399 = vector.broadcast %jit3A_398 : i32 to vector<16xi32>
      %select_n3A_400 = arith.select %lt3A_397, %shift_right_logical3A_383, %broadcast_in_dim3A_399 : vector<16xi1>, vector<16xi32>
      %add3A_401 = vector.broadcast %mul3A_10 : i32 to vector<16xi32>
      %add3A_402 = arith.addi %select_n3A_400, %add3A_401 : vector<16xi32>
      %swap3A_403 = arith.constant 0 : i32
      %swap3A_404 = arith.index_cast %swap3A_403 : i32 to index
      %swap3A_405 = arith.constant 32 : index
      %swap3A_406 = tpu.vector_load %arg11[%swap3A_404, %swap3A_405] {strides = array<i32>} : memref<2x64xi32, #tpu.memory_space<vmem>>, vector<1x16xi32>,
      %swap3A_407 = vector.shape_cast %swap3A_406 : vector<1x16xi32> to vector<16xi32>
      %swap3A_408 = vector.shape_cast %add3A_402 : vector<16xi32> to vector<1x16xi32>
      tpu.vector_store %arg11[%swap3A_404, %swap3A_405], %swap3A_408 {strides = array<i32>} : memref<2x64xi32, #tpu.memory_space<vmem>>, vector<1x16xi32>,
      %add3A_409 = arith.constant 48 : i32
      %add3A_410 = arith.addi %mul3A_269, %add3A_409 : i32
      %add3A_411 = vector.broadcast %add3A_410 : i32 to vector<16xi32>
      %add3A_412 = arith.addi %iota3A_303, %add3A_411 : vector<16xi32>
      %mul3A_413 = arith.constant 1311 : i32
      %mul3A_414 = vector.broadcast %mul3A_413 : i32 to vector<16xi32>
      %mul3A_415 = arith.muli %add3A_412, %mul3A_414 : vector<16xi32>
      %shift_right_logical3A_416 = arith.constant 16 : i32
      %shift_right_logical3A_417 = vector.broadcast %shift_right_logical3A_416 : i32 to vector<16xi32>
      %shift_right_logical3A_418 = arith.shrui %mul3A_415, %shift_right_logical3A_417 : vector<16xi32>
      %mul3A_419 = arith.constant 50 : i32
      %mul3A_420 = vector.broadcast %mul3A_419 : i32 to vector<16xi32>
      %mul3A_421 = arith.muli %shift_right_logical3A_418, %mul3A_420 : vector<16xi32>
      %sub3A_422 = arith.subi %add3A_412, %mul3A_421 : vector<16xi32>
      %gt3A_423 = vector.broadcast %select_n3A_288 : i32 to vector<16xi32>
      %gt3A_424 = arith.cmpi sgt, %shift_right_logical3A_418, %gt3A_423 : vector<16xi32>
      %gt3A_425 = vector.broadcast %min3A_292 : i32 to vector<16xi32>
      %gt3A_426 = arith.cmpi sgt, %shift_right_logical3A_418, %gt3A_425 : vector<16xi32>
      %broadcast_in_dim3A_427 = vector.broadcast %get3A_302 : i32 to vector<16xi32>
      %broadcast_in_dim3A_428 = vector.broadcast %get3A_300 : i32 to vector<16xi32>
      %select_n3A_429 = arith.select %gt3A_426, %broadcast_in_dim3A_427, %broadcast_in_dim3A_428 : vector<16xi1>, vector<16xi32>
      %broadcast_in_dim3A_430 = vector.broadcast %get3A_298 : i32 to vector<16xi32>
      %select_n3A_431 = arith.select %gt3A_424, %select_n3A_429, %broadcast_in_dim3A_430 : vector<16xi1>, vector<16xi32>
      %lt3A_432 = arith.cmpi slt, %sub3A_422, %select_n3A_431 : vector<16xi32>
      %jit3A_433 = arith.constant 32 : i32
      %broadcast_in_dim3A_434 = vector.broadcast %jit3A_433 : i32 to vector<16xi32>
      %select_n3A_435 = arith.select %lt3A_432, %shift_right_logical3A_418, %broadcast_in_dim3A_434 : vector<16xi1>, vector<16xi32>
      %add3A_436 = vector.broadcast %mul3A_10 : i32 to vector<16xi32>
      %add3A_437 = arith.addi %select_n3A_435, %add3A_436 : vector<16xi32>
      %swap3A_438 = arith.constant 0 : i32
      %swap3A_439 = arith.index_cast %swap3A_438 : i32 to index
      %swap3A_440 = arith.constant 48 : index
      %swap3A_441 = tpu.vector_load %arg11[%swap3A_439, %swap3A_440] {strides = array<i32>} : memref<2x64xi32, #tpu.memory_space<vmem>>, vector<1x16xi32>,
      %swap3A_442 = vector.shape_cast %swap3A_441 : vector<1x16xi32> to vector<16xi32>
      %swap3A_443 = vector.shape_cast %add3A_437 : vector<16xi32> to vector<1x16xi32>
      tpu.vector_store %arg11[%swap3A_439, %swap3A_440], %swap3A_443 {strides = array<i32>} : memref<2x64xi32, #tpu.memory_space<vmem>>, vector<1x16xi32>,
      %run_scoped3A_444 = arith.constant 0 : i32
      %run_scoped3A_445 = arith.constant 0 : i32
      "tpu.region"() ({
        %run_scoped3A_707 = tpu.sem_alloc : memref<!tpu.dma_semaphore, #tpu.memory_space<semaphore_mem>>
        %dma_start3A_708 = arith.constant 0 : i32
        %dma_start3A_709 = arith.constant 0 : i32
        %dma_start3A_710 = tpu.memref_slice %arg9[%run_scoped3A_444, %dma_start3A_708, %dma_start3A_709] : memref<2x64x768xf32, #tpu.memory_space<vmem>> -> memref<1x64x768xf32, #tpu.memory_space<vmem>>
        %dma_start3A_711 = tpu.memref_squeeze %dma_start3A_710 : memref<1x64x768xf32, #tpu.memory_space<vmem>> -> memref<64x768xf32, #tpu.memory_space<vmem>>
        %dma_start3A_712 = arith.constant 0 : i32
        %dma_start3A_713 = tpu.memref_slice %arg11[%run_scoped3A_445, %dma_start3A_712] : memref<2x64xi32, #tpu.memory_space<vmem>> -> memref<1x64xi32, #tpu.memory_space<vmem>>
        %dma_start3A_714 = tpu.memref_squeeze %dma_start3A_713 : memref<1x64xi32, #tpu.memory_space<vmem>> -> memref<64xi32, #tpu.memory_space<vmem>>
        %dma_start3A_715 = arith.constant 0 : i32
        %dma_start3A_716 = arith.constant 0 : i32
        %dma_start3A_717 = tpu.memref_slice %arg10[%dma_start3A_715, %dma_start3A_716] : memref<528x768xf32, #tpu.memory_space<vmem_shared>> -> memref<528x768xf32, #tpu.memory_space<vmem_shared>>
        tpu.enqueue_indirect_dma source(%dma_start3A_711 : memref<64x768xf32, #tpu.memory_space<vmem>>) target(%dma_start3A_717 : memref<528x768xf32, #tpu.memory_space<vmem_shared>>) offsets(%dma_start3A_714 : memref<64xi32, #tpu.memory_space<vmem>>) semaphore(%run_scoped3A_707 : memref<!tpu.dma_semaphore, #tpu.memory_space<semaphore_mem>>) {add = true}
        %dma_wait3A_718 = arith.constant 0 : i32
        %dma_wait3A_719 = arith.constant 0 : i32
        %dma_wait3A_720 = tpu.memref_slice %arg9[%run_scoped3A_444, %dma_wait3A_718, %dma_wait3A_719] : memref<2x64x768xf32, #tpu.memory_space<vmem>> -> memref<1x64x768xf32, #tpu.memory_space<vmem>>
        %dma_wait3A_721 = tpu.memref_squeeze %dma_wait3A_720 : memref<1x64x768xf32, #tpu.memory_space<vmem>> -> memref<64x768xf32, #tpu.memory_space<vmem>>
        %dma_wait3A_722 = arith.constant 0 : i32
        %dma_wait3A_723 = tpu.memref_slice %arg11[%run_scoped3A_445, %dma_wait3A_722] : memref<2x64xi32, #tpu.memory_space<vmem>> -> memref<1x64xi32, #tpu.memory_space<vmem>>
        %dma_wait3A_724 = tpu.memref_squeeze %dma_wait3A_723 : memref<1x64xi32, #tpu.memory_space<vmem>> -> memref<64xi32, #tpu.memory_space<vmem>>
        %dma_wait3A_725 = arith.constant 0 : i32
        %dma_wait3A_726 = arith.constant 0 : i32
        %dma_wait3A_727 = tpu.memref_slice %arg10[%dma_wait3A_725, %dma_wait3A_726] : memref<528x768xf32, #tpu.memory_space<vmem_shared>> -> memref<528x768xf32, #tpu.memory_space<vmem_shared>>
        tpu.wait_indirect_dma semaphore(%run_scoped3A_707 : memref<!tpu.dma_semaphore, #tpu.memory_space<semaphore_mem>>) src(%dma_wait3A_721 : memref<64x768xf32, #tpu.memory_space<vmem>>) dst(%dma_wait3A_727 : memref<528x768xf32, #tpu.memory_space<vmem_shared>>)
        tpu.yield
      }) : () -> ()
      %dma_wait3A_446 = arith.constant 1 : i32
      %dma_wait3A_447 = arith.constant 0 : i32
      %dma_wait3A_448 = arith.constant 0 : i32
      %dma_wait3A_449 = tpu.memref_slice %arg9[%dma_wait3A_446, %dma_wait3A_447, %dma_wait3A_448] : memref<2x64x768xf32, #tpu.memory_space<vmem>> -> memref<1x64x768xf32, #tpu.memory_space<vmem>>
      %dma_wait3A_450 = tpu.memref_squeeze %dma_wait3A_449 : memref<1x64x768xf32, #tpu.memory_space<vmem>> -> memref<64x768xf32, #tpu.memory_space<vmem>>
      %dma_wait3A_451 = arith.constant 0 : i32
      %dma_wait3A_452 = arith.constant 0 : i32
      %dma_wait3A_453 = tpu.memref_slice %arg5[%dma_wait3A_451, %dma_wait3A_452] : memref<51200x768xf32, #tpu.memory_space<hbm>> -> memref<64x768xf32, #tpu.memory_space<hbm>>
      %dma_wait3A_454 = arith.constant 0 : i32
      %dma_wait3A_455 = arith.constant 0 : i32
      %dma_wait3A_456 = tpu.memref_slice %arg9[%dma_wait3A_446, %dma_wait3A_454, %dma_wait3A_455] : memref<2x64x768xf32, #tpu.memory_space<vmem>> -> memref<1x64x768xf32, #tpu.memory_space<vmem>>
      %dma_wait3A_457 = tpu.memref_squeeze %dma_wait3A_456 : memref<1x64x768xf32, #tpu.memory_space<vmem>> -> memref<64x768xf32, #tpu.memory_space<vmem>>
      %dma_wait3A_458 = arith.constant 0 : i32
      %dma_wait3A_459 = arith.constant 0 : i32
      %dma_wait3A_460 = tpu.memref_slice %arg5[%dma_wait3A_458, %dma_wait3A_459] : memref<51200x768xf32, #tpu.memory_space<hbm>> -> memref<64x768xf32, #tpu.memory_space<hbm>>
      tpu.wait_dma2 semaphore(%arg13 : memref<!tpu.dma_semaphore, #tpu.memory_space<semaphore_mem>>) src(%dma_wait3A_460 : memref<64x768xf32, #tpu.memory_space<hbm>>) dst(%dma_wait3A_457 : memref<64x768xf32, #tpu.memory_space<vmem>>)
      %add3A_461 = arith.constant 1 : i32
      %add3A_462 = arith.addi %add3A_223, %add3A_461 : i32
      %mul3A_463 = arith.constant 64 : i32
      %mul3A_464 = arith.muli %add3A_462, %mul3A_463 : i32
      %add3A_465 = arith.addi %mul3A_4, %mul3A_464 : i32
      %dma_start3A_466 = arith.constant 1 : i32
      %dma_start3A_467 = arith.constant 0 : i32
      %dma_start3A_468 = arith.constant 0 : i32
      %dma_start3A_469 = tpu.memref_slice %arg9[%dma_start3A_466, %dma_start3A_467, %dma_start3A_468] : memref<2x64x768xf32, #tpu.memory_space<vmem>> -> memref<1x64x768xf32, #tpu.memory_space<vmem>>
      %dma_start3A_470 = tpu.memref_squeeze %dma_start3A_469 : memref<1x64x768xf32, #tpu.memory_space<vmem>> -> memref<64x768xf32, #tpu.memory_space<vmem>>
      %dma_start3A_471 = arith.constant 0 : i32
      %dma_start3A_472 = tpu.memref_slice %arg5[%add3A_465, %dma_start3A_471] : memref<51200x768xf32, #tpu.memory_space<hbm>> -> memref<64x768xf32, #tpu.memory_space<hbm>>
      %dma_start3A_473 = arith.constant 0 : i32
      %dma_start3A_474 = tpu.memref_slice %arg5[%add3A_465, %dma_start3A_473] : memref<51200x768xf32, #tpu.memory_space<hbm>> -> memref<64x768xf32, #tpu.memory_space<hbm>>
      %dma_start3A_475 = arith.constant 0 : i32
      %dma_start3A_476 = arith.constant 0 : i32
      %dma_start3A_477 = tpu.memref_slice %arg9[%dma_start3A_466, %dma_start3A_475, %dma_start3A_476] : memref<2x64x768xf32, #tpu.memory_space<vmem>> -> memref<1x64x768xf32, #tpu.memory_space<vmem>>
      %dma_start3A_478 = tpu.memref_squeeze %dma_start3A_477 : memref<1x64x768xf32, #tpu.memory_space<vmem>> -> memref<64x768xf32, #tpu.memory_space<vmem>>
      tpu.enqueue_dma source(%dma_start3A_478 : memref<64x768xf32, #tpu.memory_space<vmem>>) target(%dma_start3A_474 : memref<64x768xf32, #tpu.memory_space<hbm>>) target_semaphore(%arg14 : memref<!tpu.dma_semaphore, #tpu.memory_space<semaphore_mem>>)
      %add3A_479 = arith.constant 1 : i32
      %add3A_480 = arith.addi %add3A_223, %add3A_479 : i32
      %mul3A_481 = arith.constant 64 : i32
      %mul3A_482 = arith.muli %add3A_480, %mul3A_481 : i32
      %jit3A_483 = arith.constant 50 : i32
      %div3A_484 = arith.divsi %mul3A_482, %jit3A_483 : i32
      %sign3A_485 = arith.constant 0 : i32
      %sign3A_486 = arith.cmpi sgt, %mul3A_482, %sign3A_485 : i32
      %sign3A_487 = arith.extui %sign3A_486 : i1 to i32
      %sign3A_488 = arith.constant 0 : i32
      %sign3A_489 = arith.cmpi slt, %mul3A_482, %sign3A_488 : i32
      %sign3A_490 = arith.extui %sign3A_489 : i1 to i32
      %sign3A_491 = arith.subi %sign3A_487, %sign3A_490 : i32
      %sign3A_492 = arith.constant 0 : i32
      %sign3A_493 = arith.cmpi sgt, %jit3A_483, %sign3A_492 : i32
      %sign3A_494 = arith.extui %sign3A_493 : i1 to i32
      %sign3A_495 = arith.constant 0 : i32
      %sign3A_496 = arith.cmpi slt, %jit3A_483, %sign3A_495 : i32
      %sign3A_497 = arith.extui %sign3A_496 : i1 to i32
      %sign3A_498 = arith.subi %sign3A_494, %sign3A_497 : i32
      %ne3A_499 = arith.cmpi ne, %sign3A_491, %sign3A_498 : i32
      %rem3A_500 = arith.remsi %mul3A_482, %jit3A_483 : i32
      %ne3A_501 = arith.constant 0 : i32
      %ne3A_502 = arith.cmpi ne, %rem3A_500, %ne3A_501 : i32
      %and3A_503 = arith.andi %ne3A_499, %ne3A_502 : i1
      %sub3A_504 = arith.constant 1 : i32
      %sub3A_505 = arith.subi %div3A_484, %sub3A_504 : i32
      %select_n3A_506 = arith.select %and3A_503, %sub3A_505, %div3A_484 : i32
      %add3A_507 = arith.constant 1 : i32
      %add3A_508 = arith.addi %select_n3A_506, %add3A_507 : i32
      %min3A_509 = arith.constant 31 : i32
      %min3A_510 = arith.minsi %add3A_508, %min3A_509 : i32
      %add3A_511 = arith.constant 2 : i32
      %add3A_512 = arith.addi %select_n3A_506, %add3A_511 : i32
      %min3A_513 = arith.constant 31 : i32
      %min3A_514 = arith.minsi %add3A_512, %min3A_513 : i32
      %get3A_515 = arith.index_cast %select_n3A_506 : i32 to index
      %get3A_516 = memref.load %arg12[%get3A_515] : memref<32xi32, #tpu.memory_space<smem>>
      %get3A_517 = arith.index_cast %min3A_510 : i32 to index
      %get3A_518 = memref.load %arg12[%get3A_517] : memref<32xi32, #tpu.memory_space<smem>>
      %get3A_519 = arith.index_cast %min3A_514 : i32 to index
      %get3A_520 = memref.load %arg12[%get3A_519] : memref<32xi32, #tpu.memory_space<smem>>
      %iota3A_521 = tpu.iota {dimensions = array<i32: 0>} : vector<16xi32>
      %add3A_522 = arith.constant 0 : i32
      %add3A_523 = arith.addi %mul3A_482, %add3A_522 : i32
      %add3A_524 = vector.broadcast %add3A_523 : i32 to vector<16xi32>
      %add3A_525 = arith.addi %iota3A_521, %add3A_524 : vector<16xi32>
      %mul3A_526 = arith.constant 1311 : i32
      %mul3A_527 = vector.broadcast %mul3A_526 : i32 to vector<16xi32>
      %mul3A_528 = arith.muli %add3A_525, %mul3A_527 : vector<16xi32>
      %shift_right_logical3A_529 = arith.constant 16 : i32
      %shift_right_logical3A_530 = vector.broadcast %shift_right_logical3A_529 : i32 to vector<16xi32>
      %shift_right_logical3A_531 = arith.shrui %mul3A_528, %shift_right_logical3A_530 : vector<16xi32>
      %mul3A_532 = arith.constant 50 : i32
      %mul3A_533 = vector.broadcast %mul3A_532 : i32 to vector<16xi32>
      %mul3A_534 = arith.muli %shift_right_logical3A_531, %mul3A_533 : vector<16xi32>
      %sub3A_535 = arith.subi %add3A_525, %mul3A_534 : vector<16xi32>
      %gt3A_536 = vector.broadcast %select_n3A_506 : i32 to vector<16xi32>
      %gt3A_537 = arith.cmpi sgt, %shift_right_logical3A_531, %gt3A_536 : vector<16xi32>
      %gt3A_538 = vector.broadcast %min3A_510 : i32 to vector<16xi32>
      %gt3A_539 = arith.cmpi sgt, %shift_right_logical3A_531, %gt3A_538 : vector<16xi32>
      %broadcast_in_dim3A_540 = vector.broadcast %get3A_520 : i32 to vector<16xi32>
      %broadcast_in_dim3A_541 = vector.broadcast %get3A_518 : i32 to vector<16xi32>
      %select_n3A_542 = arith.select %gt3A_539, %broadcast_in_dim3A_540, %broadcast_in_dim3A_541 : vector<16xi1>, vector<16xi32>
      %broadcast_in_dim3A_543 = vector.broadcast %get3A_516 : i32 to vector<16xi32>
      %select_n3A_544 = arith.select %gt3A_537, %select_n3A_542, %broadcast_in_dim3A_543 : vector<16xi1>, vector<16xi32>
      %lt3A_545 = arith.cmpi slt, %sub3A_535, %select_n3A_544 : vector<16xi32>
      %jit3A_546 = arith.constant 32 : i32
      %broadcast_in_dim3A_547 = vector.broadcast %jit3A_546 : i32 to vector<16xi32>
      %select_n3A_548 = arith.select %lt3A_545, %shift_right_logical3A_531, %broadcast_in_dim3A_547 : vector<16xi1>, vector<16xi32>
      %add3A_549 = vector.broadcast %mul3A_10 : i32 to vector<16xi32>
      %add3A_550 = arith.addi %select_n3A_548, %add3A_549 : vector<16xi32>
      %swap3A_551 = arith.constant 1 : i32
      %swap3A_552 = arith.index_cast %swap3A_551 : i32 to index
      %swap3A_553 = arith.constant 0 : index
      %swap3A_554 = tpu.vector_load %arg11[%swap3A_552, %swap3A_553] {strides = array<i32>} : memref<2x64xi32, #tpu.memory_space<vmem>>, vector<1x16xi32>,
      %swap3A_555 = vector.shape_cast %swap3A_554 : vector<1x16xi32> to vector<16xi32>
      %swap3A_556 = vector.shape_cast %add3A_550 : vector<16xi32> to vector<1x16xi32>
      tpu.vector_store %arg11[%swap3A_552, %swap3A_553], %swap3A_556 {strides = array<i32>} : memref<2x64xi32, #tpu.memory_space<vmem>>, vector<1x16xi32>,
      %add3A_557 = arith.constant 16 : i32
      %add3A_558 = arith.addi %mul3A_482, %add3A_557 : i32
      %add3A_559 = vector.broadcast %add3A_558 : i32 to vector<16xi32>
      %add3A_560 = arith.addi %iota3A_521, %add3A_559 : vector<16xi32>
      %mul3A_561 = arith.constant 1311 : i32
      %mul3A_562 = vector.broadcast %mul3A_561 : i32 to vector<16xi32>
      %mul3A_563 = arith.muli %add3A_560, %mul3A_562 : vector<16xi32>
      %shift_right_logical3A_564 = arith.constant 16 : i32
      %shift_right_logical3A_565 = vector.broadcast %shift_right_logical3A_564 : i32 to vector<16xi32>
      %shift_right_logical3A_566 = arith.shrui %mul3A_563, %shift_right_logical3A_565 : vector<16xi32>
      %mul3A_567 = arith.constant 50 : i32
      %mul3A_568 = vector.broadcast %mul3A_567 : i32 to vector<16xi32>
      %mul3A_569 = arith.muli %shift_right_logical3A_566, %mul3A_568 : vector<16xi32>
      %sub3A_570 = arith.subi %add3A_560, %mul3A_569 : vector<16xi32>
      %gt3A_571 = vector.broadcast %select_n3A_506 : i32 to vector<16xi32>
      %gt3A_572 = arith.cmpi sgt, %shift_right_logical3A_566, %gt3A_571 : vector<16xi32>
      %gt3A_573 = vector.broadcast %min3A_510 : i32 to vector<16xi32>
      %gt3A_574 = arith.cmpi sgt, %shift_right_logical3A_566, %gt3A_573 : vector<16xi32>
      %broadcast_in_dim3A_575 = vector.broadcast %get3A_520 : i32 to vector<16xi32>
      %broadcast_in_dim3A_576 = vector.broadcast %get3A_518 : i32 to vector<16xi32>
      %select_n3A_577 = arith.select %gt3A_574, %broadcast_in_dim3A_575, %broadcast_in_dim3A_576 : vector<16xi1>, vector<16xi32>
      %broadcast_in_dim3A_578 = vector.broadcast %get3A_516 : i32 to vector<16xi32>
      %select_n3A_579 = arith.select %gt3A_572, %select_n3A_577, %broadcast_in_dim3A_578 : vector<16xi1>, vector<16xi32>
      %lt3A_580 = arith.cmpi slt, %sub3A_570, %select_n3A_579 : vector<16xi32>
      %jit3A_581 = arith.constant 32 : i32
      %broadcast_in_dim3A_582 = vector.broadcast %jit3A_581 : i32 to vector<16xi32>
      %select_n3A_583 = arith.select %lt3A_580, %shift_right_logical3A_566, %broadcast_in_dim3A_582 : vector<16xi1>, vector<16xi32>
      %add3A_584 = vector.broadcast %mul3A_10 : i32 to vector<16xi32>
      %add3A_585 = arith.addi %select_n3A_583, %add3A_584 : vector<16xi32>
      %swap3A_586 = arith.constant 1 : i32
      %swap3A_587 = arith.index_cast %swap3A_586 : i32 to index
      %swap3A_588 = arith.constant 16 : index
      %swap3A_589 = tpu.vector_load %arg11[%swap3A_587, %swap3A_588] {strides = array<i32>} : memref<2x64xi32, #tpu.memory_space<vmem>>, vector<1x16xi32>,
      %swap3A_590 = vector.shape_cast %swap3A_589 : vector<1x16xi32> to vector<16xi32>
      %swap3A_591 = vector.shape_cast %add3A_585 : vector<16xi32> to vector<1x16xi32>
      tpu.vector_store %arg11[%swap3A_587, %swap3A_588], %swap3A_591 {strides = array<i32>} : memref<2x64xi32, #tpu.memory_space<vmem>>, vector<1x16xi32>,
      %add3A_592 = arith.constant 32 : i32
      %add3A_593 = arith.addi %mul3A_482, %add3A_592 : i32
      %add3A_594 = vector.broadcast %add3A_593 : i32 to vector<16xi32>
      %add3A_595 = arith.addi %iota3A_521, %add3A_594 : vector<16xi32>
      %mul3A_596 = arith.constant 1311 : i32
      %mul3A_597 = vector.broadcast %mul3A_596 : i32 to vector<16xi32>
      %mul3A_598 = arith.muli %add3A_595, %mul3A_597 : vector<16xi32>
      %shift_right_logical3A_599 = arith.constant 16 : i32
      %shift_right_logical3A_600 = vector.broadcast %shift_right_logical3A_599 : i32 to vector<16xi32>
      %shift_right_logical3A_601 = arith.shrui %mul3A_598, %shift_right_logical3A_600 : vector<16xi32>
      %mul3A_602 = arith.constant 50 : i32
      %mul3A_603 = vector.broadcast %mul3A_602 : i32 to vector<16xi32>
      %mul3A_604 = arith.muli %shift_right_logical3A_601, %mul3A_603 : vector<16xi32>
      %sub3A_605 = arith.subi %add3A_595, %mul3A_604 : vector<16xi32>
      %gt3A_606 = vector.broadcast %select_n3A_506 : i32 to vector<16xi32>
      %gt3A_607 = arith.cmpi sgt, %shift_right_logical3A_601, %gt3A_606 : vector<16xi32>
      %gt3A_608 = vector.broadcast %min3A_510 : i32 to vector<16xi32>
      %gt3A_609 = arith.cmpi sgt, %shift_right_logical3A_601, %gt3A_608 : vector<16xi32>
      %broadcast_in_dim3A_610 = vector.broadcast %get3A_520 : i32 to vector<16xi32>
      %broadcast_in_dim3A_611 = vector.broadcast %get3A_518 : i32 to vector<16xi32>
      %select_n3A_612 = arith.select %gt3A_609, %broadcast_in_dim3A_610, %broadcast_in_dim3A_611 : vector<16xi1>, vector<16xi32>
      %broadcast_in_dim3A_613 = vector.broadcast %get3A_516 : i32 to vector<16xi32>
      %select_n3A_614 = arith.select %gt3A_607, %select_n3A_612, %broadcast_in_dim3A_613 : vector<16xi1>, vector<16xi32>
      %lt3A_615 = arith.cmpi slt, %sub3A_605, %select_n3A_614 : vector<16xi32>
      %jit3A_616 = arith.constant 32 : i32
      %broadcast_in_dim3A_617 = vector.broadcast %jit3A_616 : i32 to vector<16xi32>
      %select_n3A_618 = arith.select %lt3A_615, %shift_right_logical3A_601, %broadcast_in_dim3A_617 : vector<16xi1>, vector<16xi32>
      %add3A_619 = vector.broadcast %mul3A_10 : i32 to vector<16xi32>
      %add3A_620 = arith.addi %select_n3A_618, %add3A_619 : vector<16xi32>
      %swap3A_621 = arith.constant 1 : i32
      %swap3A_622 = arith.index_cast %swap3A_621 : i32 to index
      %swap3A_623 = arith.constant 32 : index
      %swap3A_624 = tpu.vector_load %arg11[%swap3A_622, %swap3A_623] {strides = array<i32>} : memref<2x64xi32, #tpu.memory_space<vmem>>, vector<1x16xi32>,
      %swap3A_625 = vector.shape_cast %swap3A_624 : vector<1x16xi32> to vector<16xi32>
      %swap3A_626 = vector.shape_cast %add3A_620 : vector<16xi32> to vector<1x16xi32>
      tpu.vector_store %arg11[%swap3A_622, %swap3A_623], %swap3A_626 {strides = array<i32>} : memref<2x64xi32, #tpu.memory_space<vmem>>, vector<1x16xi32>,
      %add3A_627 = arith.constant 48 : i32
      %add3A_628 = arith.addi %mul3A_482, %add3A_627 : i32
      %add3A_629 = vector.broadcast %add3A_628 : i32 to vector<16xi32>
      %add3A_630 = arith.addi %iota3A_521, %add3A_629 : vector<16xi32>
      %mul3A_631 = arith.constant 1311 : i32
      %mul3A_632 = vector.broadcast %mul3A_631 : i32 to vector<16xi32>
      %mul3A_633 = arith.muli %add3A_630, %mul3A_632 : vector<16xi32>
      %shift_right_logical3A_634 = arith.constant 16 : i32
      %shift_right_logical3A_635 = vector.broadcast %shift_right_logical3A_634 : i32 to vector<16xi32>
      %shift_right_logical3A_636 = arith.shrui %mul3A_633, %shift_right_logical3A_635 : vector<16xi32>
      %mul3A_637 = arith.constant 50 : i32
      %mul3A_638 = vector.broadcast %mul3A_637 : i32 to vector<16xi32>
      %mul3A_639 = arith.muli %shift_right_logical3A_636, %mul3A_638 : vector<16xi32>
      %sub3A_640 = arith.subi %add3A_630, %mul3A_639 : vector<16xi32>
      %gt3A_641 = vector.broadcast %select_n3A_506 : i32 to vector<16xi32>
      %gt3A_642 = arith.cmpi sgt, %shift_right_logical3A_636, %gt3A_641 : vector<16xi32>
      %gt3A_643 = vector.broadcast %min3A_510 : i32 to vector<16xi32>
      %gt3A_644 = arith.cmpi sgt, %shift_right_logical3A_636, %gt3A_643 : vector<16xi32>
      %broadcast_in_dim3A_645 = vector.broadcast %get3A_520 : i32 to vector<16xi32>
      %broadcast_in_dim3A_646 = vector.broadcast %get3A_518 : i32 to vector<16xi32>
      %select_n3A_647 = arith.select %gt3A_644, %broadcast_in_dim3A_645, %broadcast_in_dim3A_646 : vector<16xi1>, vector<16xi32>
      %broadcast_in_dim3A_648 = vector.broadcast %get3A_516 : i32 to vector<16xi32>
      %select_n3A_649 = arith.select %gt3A_642, %select_n3A_647, %broadcast_in_dim3A_648 : vector<16xi1>, vector<16xi32>
      %lt3A_650 = arith.cmpi slt, %sub3A_640, %select_n3A_649 : vector<16xi32>
      %jit3A_651 = arith.constant 32 : i32
      %broadcast_in_dim3A_652 = vector.broadcast %jit3A_651 : i32 to vector<16xi32>
      %select_n3A_653 = arith.select %lt3A_650, %shift_right_logical3A_636, %broadcast_in_dim3A_652 : vector<16xi1>, vector<16xi32>
      %add3A_654 = vector.broadcast %mul3A_10 : i32 to vector<16xi32>
      %add3A_655 = arith.addi %select_n3A_653, %add3A_654 : vector<16xi32>
      %swap3A_656 = arith.constant 1 : i32
      %swap3A_657 = arith.index_cast %swap3A_656 : i32 to index
      %swap3A_658 = arith.constant 48 : index
      %swap3A_659 = tpu.vector_load %arg11[%swap3A_657, %swap3A_658] {strides = array<i32>} : memref<2x64xi32, #tpu.memory_space<vmem>>, vector<1x16xi32>,
      %swap3A_660 = vector.shape_cast %swap3A_659 : vector<1x16xi32> to vector<16xi32>
      %swap3A_661 = vector.shape_cast %add3A_655 : vector<16xi32> to vector<1x16xi32>
      tpu.vector_store %arg11[%swap3A_657, %swap3A_658], %swap3A_661 {strides = array<i32>} : memref<2x64xi32, #tpu.memory_space<vmem>>, vector<1x16xi32>,
      %run_scoped3A_662 = arith.constant 1 : i32
      %run_scoped3A_663 = arith.constant 1 : i32
      "tpu.region"() ({
        %run_scoped3A_707 = tpu.sem_alloc : memref<!tpu.dma_semaphore, #tpu.memory_space<semaphore_mem>>
        %dma_start3A_708 = arith.constant 0 : i32
        %dma_start3A_709 = arith.constant 0 : i32
        %dma_start3A_710 = tpu.memref_slice %arg9[%run_scoped3A_662, %dma_start3A_708, %dma_start3A_709] : memref<2x64x768xf32, #tpu.memory_space<vmem>> -> memref<1x64x768xf32, #tpu.memory_space<vmem>>
        %dma_start3A_711 = tpu.memref_squeeze %dma_start3A_710 : memref<1x64x768xf32, #tpu.memory_space<vmem>> -> memref<64x768xf32, #tpu.memory_space<vmem>>
        %dma_start3A_712 = arith.constant 0 : i32
        %dma_start3A_713 = tpu.memref_slice %arg11[%run_scoped3A_663, %dma_start3A_712] : memref<2x64xi32, #tpu.memory_space<vmem>> -> memref<1x64xi32, #tpu.memory_space<vmem>>
        %dma_start3A_714 = tpu.memref_squeeze %dma_start3A_713 : memref<1x64xi32, #tpu.memory_space<vmem>> -> memref<64xi32, #tpu.memory_space<vmem>>
        %dma_start3A_715 = arith.constant 0 : i32
        %dma_start3A_716 = arith.constant 0 : i32
        %dma_start3A_717 = tpu.memref_slice %arg10[%dma_start3A_715, %dma_start3A_716] : memref<528x768xf32, #tpu.memory_space<vmem_shared>> -> memref<528x768xf32, #tpu.memory_space<vmem_shared>>
        tpu.enqueue_indirect_dma source(%dma_start3A_711 : memref<64x768xf32, #tpu.memory_space<vmem>>) target(%dma_start3A_717 : memref<528x768xf32, #tpu.memory_space<vmem_shared>>) offsets(%dma_start3A_714 : memref<64xi32, #tpu.memory_space<vmem>>) semaphore(%run_scoped3A_707 : memref<!tpu.dma_semaphore, #tpu.memory_space<semaphore_mem>>) {add = true}
        %dma_wait3A_718 = arith.constant 0 : i32
        %dma_wait3A_719 = arith.constant 0 : i32
        %dma_wait3A_720 = tpu.memref_slice %arg9[%run_scoped3A_662, %dma_wait3A_718, %dma_wait3A_719] : memref<2x64x768xf32, #tpu.memory_space<vmem>> -> memref<1x64x768xf32, #tpu.memory_space<vmem>>
        %dma_wait3A_721 = tpu.memref_squeeze %dma_wait3A_720 : memref<1x64x768xf32, #tpu.memory_space<vmem>> -> memref<64x768xf32, #tpu.memory_space<vmem>>
        %dma_wait3A_722 = arith.constant 0 : i32
        %dma_wait3A_723 = tpu.memref_slice %arg11[%run_scoped3A_663, %dma_wait3A_722] : memref<2x64xi32, #tpu.memory_space<vmem>> -> memref<1x64xi32, #tpu.memory_space<vmem>>
        %dma_wait3A_724 = tpu.memref_squeeze %dma_wait3A_723 : memref<1x64xi32, #tpu.memory_space<vmem>> -> memref<64xi32, #tpu.memory_space<vmem>>
        %dma_wait3A_725 = arith.constant 0 : i32
        %dma_wait3A_726 = arith.constant 0 : i32
        %dma_wait3A_727 = tpu.memref_slice %arg10[%dma_wait3A_725, %dma_wait3A_726] : memref<528x768xf32, #tpu.memory_space<vmem_shared>> -> memref<528x768xf32, #tpu.memory_space<vmem_shared>>
        tpu.wait_indirect_dma semaphore(%run_scoped3A_707 : memref<!tpu.dma_semaphore, #tpu.memory_space<semaphore_mem>>) src(%dma_wait3A_721 : memref<64x768xf32, #tpu.memory_space<vmem>>) dst(%dma_wait3A_727 : memref<528x768xf32, #tpu.memory_space<vmem_shared>>)
        tpu.yield
      }) : () -> ()
      %dma_wait3A_664 = arith.constant 0 : i32
      %dma_wait3A_665 = arith.constant 0 : i32
      %dma_wait3A_666 = arith.constant 0 : i32
      %dma_wait3A_667 = tpu.memref_slice %arg9[%dma_wait3A_664, %dma_wait3A_665, %dma_wait3A_666] : memref<2x64x768xf32, #tpu.memory_space<vmem>> -> memref<1x64x768xf32, #tpu.memory_space<vmem>>
      %dma_wait3A_668 = tpu.memref_squeeze %dma_wait3A_667 : memref<1x64x768xf32, #tpu.memory_space<vmem>> -> memref<64x768xf32, #tpu.memory_space<vmem>>
      %dma_wait3A_669 = arith.constant 0 : i32
      %dma_wait3A_670 = arith.constant 0 : i32
      %dma_wait3A_671 = tpu.memref_slice %arg5[%dma_wait3A_669, %dma_wait3A_670] : memref<51200x768xf32, #tpu.memory_space<hbm>> -> memref<64x768xf32, #tpu.memory_space<hbm>>
      %dma_wait3A_672 = arith.constant 0 : i32
      %dma_wait3A_673 = arith.constant 0 : i32
      %dma_wait3A_674 = tpu.memref_slice %arg9[%dma_wait3A_664, %dma_wait3A_672, %dma_wait3A_673] : memref<2x64x768xf32, #tpu.memory_space<vmem>> -> memref<1x64x768xf32, #tpu.memory_space<vmem>>
      %dma_wait3A_675 = tpu.memref_squeeze %dma_wait3A_674 : memref<1x64x768xf32, #tpu.memory_space<vmem>> -> memref<64x768xf32, #tpu.memory_space<vmem>>
      %dma_wait3A_676 = arith.constant 0 : i32
      %dma_wait3A_677 = arith.constant 0 : i32
      %dma_wait3A_678 = tpu.memref_slice %arg5[%dma_wait3A_676, %dma_wait3A_677] : memref<51200x768xf32, #tpu.memory_space<hbm>> -> memref<64x768xf32, #tpu.memory_space<hbm>>
      tpu.wait_dma2 semaphore(%arg14 : memref<!tpu.dma_semaphore, #tpu.memory_space<semaphore_mem>>) src(%dma_wait3A_678 : memref<64x768xf32, #tpu.memory_space<hbm>>) dst(%dma_wait3A_675 : memref<64x768xf32, #tpu.memory_space<vmem>>)
      %add3A_679 = arith.constant 2 : i32
      %add3A_680 = arith.addi %add3A_223, %add3A_679 : i32
      %mul3A_681 = arith.constant 64 : i32
      %mul3A_682 = arith.muli %add3A_680, %mul3A_681 : i32
      %dma_start3A_683 = arith.constant 0 : i32
      %dma_start3A_684 = arith.constant 0 : i32
      %dma_start3A_685 = arith.constant 0 : i32
      %dma_start3A_686 = tpu.memref_slice %arg9[%dma_start3A_683, %dma_start3A_684, %dma_start3A_685] : memref<2x64x768xf32, #tpu.memory_space<vmem>> -> memref<1x64x768xf32, #tpu.memory_space<vmem>>
      %dma_start3A_687 = tpu.memref_squeeze %dma_start3A_686 : memref<1x64x768xf32, #tpu.memory_space<vmem>> -> memref<64x768xf32, #tpu.memory_space<vmem>>
      %dma_start3A_688 = tpu.memref_slice %arg7[%mul3A_682] : memref<1600xi32, #tpu.memory_space<vmem>> -> memref<64xi32, #tpu.memory_space<vmem>>
      %dma_start3A_689 = arith.constant 0 : i32
      %dma_start3A_690 = arith.constant 0 : i32
      %dma_start3A_691 = tpu.memref_slice %arg4[%dma_start3A_689, %dma_start3A_690] : memref<30522x768xf32, #tpu.memory_space<hbm>> -> memref<30522x768xf32, #tpu.memory_space<hbm>>
      tpu.enqueue_indirect_dma source(%dma_start3A_691 : memref<30522x768xf32, #tpu.memory_space<hbm>>) target(%dma_start3A_687 : memref<64x768xf32, #tpu.memory_space<vmem>>) offsets(%dma_start3A_688 : memref<64xi32, #tpu.memory_space<vmem>>) semaphore(%arg13 : memref<!tpu.dma_semaphore, #tpu.memory_space<semaphore_mem>>)
      %dma_wait3A_692 = arith.constant 1 : i32
      %dma_wait3A_693 = arith.constant 0 : i32
      %dma_wait3A_694 = arith.constant 0 : i32
      %dma_wait3A_695 = tpu.memref_slice %arg9[%dma_wait3A_692, %dma_wait3A_693, %dma_wait3A_694] : memref<2x64x768xf32, #tpu.memory_space<vmem>> -> memref<1x64x768xf32, #tpu.memory_space<vmem>>
      %dma_wait3A_696 = tpu.memref_squeeze %dma_wait3A_695 : memref<1x64x768xf32, #tpu.memory_space<vmem>> -> memref<64x768xf32, #tpu.memory_space<vmem>>
      %dma_wait3A_697 = arith.constant 0 : i32
      %dma_wait3A_698 = arith.constant 0 : i32
      %dma_wait3A_699 = tpu.memref_slice %arg5[%dma_wait3A_697, %dma_wait3A_698] : memref<51200x768xf32, #tpu.memory_space<hbm>> -> memref<64x768xf32, #tpu.memory_space<hbm>>
      %dma_wait3A_700 = arith.constant 0 : i32
      %dma_wait3A_701 = arith.constant 0 : i32
      %dma_wait3A_702 = tpu.memref_slice %arg9[%dma_wait3A_692, %dma_wait3A_700, %dma_wait3A_701] : memref<2x64x768xf32, #tpu.memory_space<vmem>> -> memref<1x64x768xf32, #tpu.memory_space<vmem>>
      %dma_wait3A_703 = tpu.memref_squeeze %dma_wait3A_702 : memref<1x64x768xf32, #tpu.memory_space<vmem>> -> memref<64x768xf32, #tpu.memory_space<vmem>>
      %dma_wait3A_704 = arith.constant 0 : i32
      %dma_wait3A_705 = arith.constant 0 : i32
      %dma_wait3A_706 = tpu.memref_slice %arg5[%dma_wait3A_704, %dma_wait3A_705] : memref<51200x768xf32, #tpu.memory_space<hbm>> -> memref<64x768xf32, #tpu.memory_space<hbm>>
      tpu.wait_dma2 semaphore(%arg14 : memref<!tpu.dma_semaphore, #tpu.memory_space<semaphore_mem>>) src(%dma_wait3A_706 : memref<64x768xf32, #tpu.memory_space<hbm>>) dst(%dma_wait3A_703 : memref<64x768xf32, #tpu.memory_space<vmem>>)
    }
    %scan3A_29 = arith.constant 12 : i32
    %dma_wait3A = arith.constant 0 : i32
    %dma_wait3A_30 = arith.constant 0 : i32
    %dma_wait3A_31 = arith.constant 0 : i32
    %dma_wait3A_32 = tpu.memref_slice %arg9[%dma_wait3A, %dma_wait3A_30, %dma_wait3A_31] : memref<2x64x768xf32, #tpu.memory_space<vmem>> -> memref<1x64x768xf32, #tpu.memory_space<vmem>>
    %dma_wait3A_33 = tpu.memref_squeeze %dma_wait3A_32 : memref<1x64x768xf32, #tpu.memory_space<vmem>> -> memref<64x768xf32, #tpu.memory_space<vmem>>
    %dma_wait3A_34 = arith.constant 0 : i32
    %dma_wait3A_35 = arith.constant 0 : i32
    %dma_wait3A_36 = tpu.memref_slice %arg5[%dma_wait3A_34, %dma_wait3A_35] : memref<51200x768xf32, #tpu.memory_space<hbm>> -> memref<64x768xf32, #tpu.memory_space<hbm>>
    %dma_wait3A_37 = arith.constant 0 : i32
    %dma_wait3A_38 = arith.constant 0 : i32
    %dma_wait3A_39 = tpu.memref_slice %arg9[%dma_wait3A, %dma_wait3A_37, %dma_wait3A_38] : memref<2x64x768xf32, #tpu.memory_space<vmem>> -> memref<1x64x768xf32, #tpu.memory_space<vmem>>
    %dma_wait3A_40 = tpu.memref_squeeze %dma_wait3A_39 : memref<1x64x768xf32, #tpu.memory_space<vmem>> -> memref<64x768xf32, #tpu.memory_space<vmem>>
    %dma_wait3A_41 = arith.constant 0 : i32
    %dma_wait3A_42 = arith.constant 0 : i32
    %dma_wait3A_43 = tpu.memref_slice %arg5[%dma_wait3A_41, %dma_wait3A_42] : memref<51200x768xf32, #tpu.memory_space<hbm>> -> memref<64x768xf32, #tpu.memory_space<hbm>>
    tpu.wait_dma2 semaphore(%arg13 : memref<!tpu.dma_semaphore, #tpu.memory_space<semaphore_mem>>) src(%dma_wait3A_43 : memref<64x768xf32, #tpu.memory_space<hbm>>) dst(%dma_wait3A_40 : memref<64x768xf32, #tpu.memory_space<vmem>>)
    %add3A_44 = arith.constant 1536 : i32
    %add3A_45 = arith.addi %mul3A_4, %add3A_44 : i32
    %dma_start3A_46 = arith.constant 0 : i32
    %dma_start3A_47 = arith.constant 0 : i32
    %dma_start3A_48 = arith.constant 0 : i32
    %dma_start3A_49 = tpu.memref_slice %arg9[%dma_start3A_46, %dma_start3A_47, %dma_start3A_48] : memref<2x64x768xf32, #tpu.memory_space<vmem>> -> memref<1x64x768xf32, #tpu.memory_space<vmem>>
    %dma_start3A_50 = tpu.memref_squeeze %dma_start3A_49 : memref<1x64x768xf32, #tpu.memory_space<vmem>> -> memref<64x768xf32, #tpu.memory_space<vmem>>
    %dma_start3A_51 = arith.constant 0 : i32
    %dma_start3A_52 = tpu.memref_slice %arg5[%add3A_45, %dma_start3A_51] : memref<51200x768xf32, #tpu.memory_space<hbm>> -> memref<64x768xf32, #tpu.memory_space<hbm>>
    %dma_start3A_53 = arith.constant 0 : i32
    %dma_start3A_54 = tpu.memref_slice %arg5[%add3A_45, %dma_start3A_53] : memref<51200x768xf32, #tpu.memory_space<hbm>> -> memref<64x768xf32, #tpu.memory_space<hbm>>
    %dma_start3A_55 = arith.constant 0 : i32
    %dma_start3A_56 = arith.constant 0 : i32
    %dma_start3A_57 = tpu.memref_slice %arg9[%dma_start3A_46, %dma_start3A_55, %dma_start3A_56] : memref<2x64x768xf32, #tpu.memory_space<vmem>> -> memref<1x64x768xf32, #tpu.memory_space<vmem>>
    %dma_start3A_58 = tpu.memref_squeeze %dma_start3A_57 : memref<1x64x768xf32, #tpu.memory_space<vmem>> -> memref<64x768xf32, #tpu.memory_space<vmem>>
    tpu.enqueue_dma source(%dma_start3A_58 : memref<64x768xf32, #tpu.memory_space<vmem>>) target(%dma_start3A_54 : memref<64x768xf32, #tpu.memory_space<hbm>>) target_semaphore(%arg14 : memref<!tpu.dma_semaphore, #tpu.memory_space<semaphore_mem>>)
    %min3A = arith.constant 31 : i32
    %min3A_59 = arith.constant 31 : i32
    %min3A_60 = arith.minsi %min3A, %min3A_59 : i32
    %min3A_61 = arith.constant 32 : i32
    %min3A_62 = arith.constant 31 : i32
    %min3A_63 = arith.minsi %min3A_61, %min3A_62 : i32
    %get3A = arith.constant 30 : i32
    %get3A_64 = arith.index_cast %get3A : i32 to index
    %get3A_65 = memref.load %arg12[%get3A_64] : memref<32xi32, #tpu.memory_space<smem>>
    %get3A_66 = arith.index_cast %min3A_60 : i32 to index
    %get3A_67 = memref.load %arg12[%get3A_66] : memref<32xi32, #tpu.memory_space<smem>>
    %get3A_68 = arith.index_cast %min3A_63 : i32 to index
    %get3A_69 = memref.load %arg12[%get3A_68] : memref<32xi32, #tpu.memory_space<smem>>
    %iota3A = tpu.iota {dimensions = array<i32: 0>} : vector<16xi32>
    %add3A_70 = arith.constant 1536 : i32
    %add3A_71 = vector.broadcast %add3A_70 : i32 to vector<16xi32>
    %add3A_72 = arith.addi %iota3A, %add3A_71 : vector<16xi32>
    %mul3A_73 = arith.constant 1311 : i32
    %mul3A_74 = vector.broadcast %mul3A_73 : i32 to vector<16xi32>
    %mul3A_75 = arith.muli %add3A_72, %mul3A_74 : vector<16xi32>
    %shift_right_logical3A = arith.constant 16 : i32
    %shift_right_logical3A_76 = vector.broadcast %shift_right_logical3A : i32 to vector<16xi32>
    %shift_right_logical3A_77 = arith.shrui %mul3A_75, %shift_right_logical3A_76 : vector<16xi32>
    %mul3A_78 = arith.constant 50 : i32
    %mul3A_79 = vector.broadcast %mul3A_78 : i32 to vector<16xi32>
    %mul3A_80 = arith.muli %shift_right_logical3A_77, %mul3A_79 : vector<16xi32>
    %sub3A = arith.subi %add3A_72, %mul3A_80 : vector<16xi32>
    %gt3A = arith.constant 30 : i32
    %gt3A_81 = vector.broadcast %gt3A : i32 to vector<16xi32>
    %gt3A_82 = arith.cmpi sgt, %shift_right_logical3A_77, %gt3A_81 : vector<16xi32>
    %gt3A_83 = vector.broadcast %min3A_60 : i32 to vector<16xi32>
    %gt3A_84 = arith.cmpi sgt, %shift_right_logical3A_77, %gt3A_83 : vector<16xi32>
    %broadcast_in_dim3A = vector.broadcast %get3A_69 : i32 to vector<16xi32>
    %broadcast_in_dim3A_85 = vector.broadcast %get3A_67 : i32 to vector<16xi32>
    %select_n3A = arith.select %gt3A_84, %broadcast_in_dim3A, %broadcast_in_dim3A_85 : vector<16xi1>, vector<16xi32>
    %broadcast_in_dim3A_86 = vector.broadcast %get3A_65 : i32 to vector<16xi32>
    %select_n3A_87 = arith.select %gt3A_82, %select_n3A, %broadcast_in_dim3A_86 : vector<16xi1>, vector<16xi32>
    %lt3A = arith.cmpi slt, %sub3A, %select_n3A_87 : vector<16xi32>
    %jit3A = arith.constant 32 : i32
    %broadcast_in_dim3A_88 = vector.broadcast %jit3A : i32 to vector<16xi32>
    %select_n3A_89 = arith.select %lt3A, %shift_right_logical3A_77, %broadcast_in_dim3A_88 : vector<16xi1>, vector<16xi32>
    %add3A_90 = vector.broadcast %mul3A_10 : i32 to vector<16xi32>
    %add3A_91 = arith.addi %select_n3A_89, %add3A_90 : vector<16xi32>
    %swap3A = arith.constant 0 : i32
    %swap3A_92 = arith.index_cast %swap3A : i32 to index
    %swap3A_93 = arith.constant 0 : index
    %swap3A_94 = tpu.vector_load %arg11[%swap3A_92, %swap3A_93] {strides = array<i32>} : memref<2x64xi32, #tpu.memory_space<vmem>>, vector<1x16xi32>,
    %swap3A_95 = vector.shape_cast %swap3A_94 : vector<1x16xi32> to vector<16xi32>
    %swap3A_96 = vector.shape_cast %add3A_91 : vector<16xi32> to vector<1x16xi32>
    tpu.vector_store %arg11[%swap3A_92, %swap3A_93], %swap3A_96 {strides = array<i32>} : memref<2x64xi32, #tpu.memory_space<vmem>>, vector<1x16xi32>,
    %add3A_97 = arith.constant 1552 : i32
    %add3A_98 = vector.broadcast %add3A_97 : i32 to vector<16xi32>
    %add3A_99 = arith.addi %iota3A, %add3A_98 : vector<16xi32>
    %mul3A_100 = arith.constant 1311 : i32
    %mul3A_101 = vector.broadcast %mul3A_100 : i32 to vector<16xi32>
    %mul3A_102 = arith.muli %add3A_99, %mul3A_101 : vector<16xi32>
    %shift_right_logical3A_103 = arith.constant 16 : i32
    %shift_right_logical3A_104 = vector.broadcast %shift_right_logical3A_103 : i32 to vector<16xi32>
    %shift_right_logical3A_105 = arith.shrui %mul3A_102, %shift_right_logical3A_104 : vector<16xi32>
    %mul3A_106 = arith.constant 50 : i32
    %mul3A_107 = vector.broadcast %mul3A_106 : i32 to vector<16xi32>
    %mul3A_108 = arith.muli %shift_right_logical3A_105, %mul3A_107 : vector<16xi32>
    %sub3A_109 = arith.subi %add3A_99, %mul3A_108 : vector<16xi32>
    %gt3A_110 = arith.constant 30 : i32
    %gt3A_111 = vector.broadcast %gt3A_110 : i32 to vector<16xi32>
    %gt3A_112 = arith.cmpi sgt, %shift_right_logical3A_105, %gt3A_111 : vector<16xi32>
    %gt3A_113 = vector.broadcast %min3A_60 : i32 to vector<16xi32>
    %gt3A_114 = arith.cmpi sgt, %shift_right_logical3A_105, %gt3A_113 : vector<16xi32>
    %broadcast_in_dim3A_115 = vector.broadcast %get3A_69 : i32 to vector<16xi32>
    %broadcast_in_dim3A_116 = vector.broadcast %get3A_67 : i32 to vector<16xi32>
    %select_n3A_117 = arith.select %gt3A_114, %broadcast_in_dim3A_115, %broadcast_in_dim3A_116 : vector<16xi1>, vector<16xi32>
    %broadcast_in_dim3A_118 = vector.broadcast %get3A_65 : i32 to vector<16xi32>
    %select_n3A_119 = arith.select %gt3A_112, %select_n3A_117, %broadcast_in_dim3A_118 : vector<16xi1>, vector<16xi32>
    %lt3A_120 = arith.cmpi slt, %sub3A_109, %select_n3A_119 : vector<16xi32>
    %jit3A_121 = arith.constant 32 : i32
    %broadcast_in_dim3A_122 = vector.broadcast %jit3A_121 : i32 to vector<16xi32>
    %select_n3A_123 = arith.select %lt3A_120, %shift_right_logical3A_105, %broadcast_in_dim3A_122 : vector<16xi1>, vector<16xi32>
    %add3A_124 = vector.broadcast %mul3A_10 : i32 to vector<16xi32>
    %add3A_125 = arith.addi %select_n3A_123, %add3A_124 : vector<16xi32>
    %swap3A_126 = arith.constant 0 : i32
    %swap3A_127 = arith.index_cast %swap3A_126 : i32 to index
    %swap3A_128 = arith.constant 16 : index
    %swap3A_129 = tpu.vector_load %arg11[%swap3A_127, %swap3A_128] {strides = array<i32>} : memref<2x64xi32, #tpu.memory_space<vmem>>, vector<1x16xi32>,
    %swap3A_130 = vector.shape_cast %swap3A_129 : vector<1x16xi32> to vector<16xi32>
    %swap3A_131 = vector.shape_cast %add3A_125 : vector<16xi32> to vector<1x16xi32>
    tpu.vector_store %arg11[%swap3A_127, %swap3A_128], %swap3A_131 {strides = array<i32>} : memref<2x64xi32, #tpu.memory_space<vmem>>, vector<1x16xi32>,
    %add3A_132 = arith.constant 1568 : i32
    %add3A_133 = vector.broadcast %add3A_132 : i32 to vector<16xi32>
    %add3A_134 = arith.addi %iota3A, %add3A_133 : vector<16xi32>
    %mul3A_135 = arith.constant 1311 : i32
    %mul3A_136 = vector.broadcast %mul3A_135 : i32 to vector<16xi32>
    %mul3A_137 = arith.muli %add3A_134, %mul3A_136 : vector<16xi32>
    %shift_right_logical3A_138 = arith.constant 16 : i32
    %shift_right_logical3A_139 = vector.broadcast %shift_right_logical3A_138 : i32 to vector<16xi32>
    %shift_right_logical3A_140 = arith.shrui %mul3A_137, %shift_right_logical3A_139 : vector<16xi32>
    %mul3A_141 = arith.constant 50 : i32
    %mul3A_142 = vector.broadcast %mul3A_141 : i32 to vector<16xi32>
    %mul3A_143 = arith.muli %shift_right_logical3A_140, %mul3A_142 : vector<16xi32>
    %sub3A_144 = arith.subi %add3A_134, %mul3A_143 : vector<16xi32>
    %gt3A_145 = arith.constant 30 : i32
    %gt3A_146 = vector.broadcast %gt3A_145 : i32 to vector<16xi32>
    %gt3A_147 = arith.cmpi sgt, %shift_right_logical3A_140, %gt3A_146 : vector<16xi32>
    %gt3A_148 = vector.broadcast %min3A_60 : i32 to vector<16xi32>
    %gt3A_149 = arith.cmpi sgt, %shift_right_logical3A_140, %gt3A_148 : vector<16xi32>
    %broadcast_in_dim3A_150 = vector.broadcast %get3A_69 : i32 to vector<16xi32>
    %broadcast_in_dim3A_151 = vector.broadcast %get3A_67 : i32 to vector<16xi32>
    %select_n3A_152 = arith.select %gt3A_149, %broadcast_in_dim3A_150, %broadcast_in_dim3A_151 : vector<16xi1>, vector<16xi32>
    %broadcast_in_dim3A_153 = vector.broadcast %get3A_65 : i32 to vector<16xi32>
    %select_n3A_154 = arith.select %gt3A_147, %select_n3A_152, %broadcast_in_dim3A_153 : vector<16xi1>, vector<16xi32>
    %lt3A_155 = arith.cmpi slt, %sub3A_144, %select_n3A_154 : vector<16xi32>
    %jit3A_156 = arith.constant 32 : i32
    %broadcast_in_dim3A_157 = vector.broadcast %jit3A_156 : i32 to vector<16xi32>
    %select_n3A_158 = arith.select %lt3A_155, %shift_right_logical3A_140, %broadcast_in_dim3A_157 : vector<16xi1>, vector<16xi32>
    %add3A_159 = vector.broadcast %mul3A_10 : i32 to vector<16xi32>
    %add3A_160 = arith.addi %select_n3A_158, %add3A_159 : vector<16xi32>
    %swap3A_161 = arith.constant 0 : i32
    %swap3A_162 = arith.index_cast %swap3A_161 : i32 to index
    %swap3A_163 = arith.constant 32 : index
    %swap3A_164 = tpu.vector_load %arg11[%swap3A_162, %swap3A_163] {strides = array<i32>} : memref<2x64xi32, #tpu.memory_space<vmem>>, vector<1x16xi32>,
    %swap3A_165 = vector.shape_cast %swap3A_164 : vector<1x16xi32> to vector<16xi32>
    %swap3A_166 = vector.shape_cast %add3A_160 : vector<16xi32> to vector<1x16xi32>
    tpu.vector_store %arg11[%swap3A_162, %swap3A_163], %swap3A_166 {strides = array<i32>} : memref<2x64xi32, #tpu.memory_space<vmem>>, vector<1x16xi32>,
    %add3A_167 = arith.constant 1584 : i32
    %add3A_168 = vector.broadcast %add3A_167 : i32 to vector<16xi32>
    %add3A_169 = arith.addi %iota3A, %add3A_168 : vector<16xi32>
    %mul3A_170 = arith.constant 1311 : i32
    %mul3A_171 = vector.broadcast %mul3A_170 : i32 to vector<16xi32>
    %mul3A_172 = arith.muli %add3A_169, %mul3A_171 : vector<16xi32>
    %shift_right_logical3A_173 = arith.constant 16 : i32
    %shift_right_logical3A_174 = vector.broadcast %shift_right_logical3A_173 : i32 to vector<16xi32>
    %shift_right_logical3A_175 = arith.shrui %mul3A_172, %shift_right_logical3A_174 : vector<16xi32>
    %mul3A_176 = arith.constant 50 : i32
    %mul3A_177 = vector.broadcast %mul3A_176 : i32 to vector<16xi32>
    %mul3A_178 = arith.muli %shift_right_logical3A_175, %mul3A_177 : vector<16xi32>
    %sub3A_179 = arith.subi %add3A_169, %mul3A_178 : vector<16xi32>
    %gt3A_180 = arith.constant 30 : i32
    %gt3A_181 = vector.broadcast %gt3A_180 : i32 to vector<16xi32>
    %gt3A_182 = arith.cmpi sgt, %shift_right_logical3A_175, %gt3A_181 : vector<16xi32>
    %gt3A_183 = vector.broadcast %min3A_60 : i32 to vector<16xi32>
    %gt3A_184 = arith.cmpi sgt, %shift_right_logical3A_175, %gt3A_183 : vector<16xi32>
    %broadcast_in_dim3A_185 = vector.broadcast %get3A_69 : i32 to vector<16xi32>
    %broadcast_in_dim3A_186 = vector.broadcast %get3A_67 : i32 to vector<16xi32>
    %select_n3A_187 = arith.select %gt3A_184, %broadcast_in_dim3A_185, %broadcast_in_dim3A_186 : vector<16xi1>, vector<16xi32>
    %broadcast_in_dim3A_188 = vector.broadcast %get3A_65 : i32 to vector<16xi32>
    %select_n3A_189 = arith.select %gt3A_182, %select_n3A_187, %broadcast_in_dim3A_188 : vector<16xi1>, vector<16xi32>
    %lt3A_190 = arith.cmpi slt, %sub3A_179, %select_n3A_189 : vector<16xi32>
    %jit3A_191 = arith.constant 32 : i32
    %broadcast_in_dim3A_192 = vector.broadcast %jit3A_191 : i32 to vector<16xi32>
    %select_n3A_193 = arith.select %lt3A_190, %shift_right_logical3A_175, %broadcast_in_dim3A_192 : vector<16xi1>, vector<16xi32>
    %add3A_194 = vector.broadcast %mul3A_10 : i32 to vector<16xi32>
    %add3A_195 = arith.addi %select_n3A_193, %add3A_194 : vector<16xi32>
    %swap3A_196 = arith.constant 0 : i32
    %swap3A_197 = arith.index_cast %swap3A_196 : i32 to index
    %swap3A_198 = arith.constant 48 : index
    %swap3A_199 = tpu.vector_load %arg11[%swap3A_197, %swap3A_198] {strides = array<i32>} : memref<2x64xi32, #tpu.memory_space<vmem>>, vector<1x16xi32>,
    %swap3A_200 = vector.shape_cast %swap3A_199 : vector<1x16xi32> to vector<16xi32>
    %swap3A_201 = vector.shape_cast %add3A_195 : vector<16xi32> to vector<1x16xi32>
    tpu.vector_store %arg11[%swap3A_197, %swap3A_198], %swap3A_201 {strides = array<i32>} : memref<2x64xi32, #tpu.memory_space<vmem>>, vector<1x16xi32>,
    %run_scoped3A_202 = arith.constant 0 : i32
    %run_scoped3A_203 = arith.constant 0 : i32
    "tpu.region"() ({
      %run_scoped3A_219 = tpu.sem_alloc : memref<!tpu.dma_semaphore, #tpu.memory_space<semaphore_mem>>
      %dma_start3A_220 = arith.constant 0 : i32
      %dma_start3A_221 = arith.constant 0 : i32
      %dma_start3A_222 = tpu.memref_slice %arg9[%run_scoped3A_202, %dma_start3A_220, %dma_start3A_221] : memref<2x64x768xf32, #tpu.memory_space<vmem>> -> memref<1x64x768xf32, #tpu.memory_space<vmem>>
      %dma_start3A_223 = tpu.memref_squeeze %dma_start3A_222 : memref<1x64x768xf32, #tpu.memory_space<vmem>> -> memref<64x768xf32, #tpu.memory_space<vmem>>
      %dma_start3A_224 = arith.constant 0 : i32
      %dma_start3A_225 = tpu.memref_slice %arg11[%run_scoped3A_203, %dma_start3A_224] : memref<2x64xi32, #tpu.memory_space<vmem>> -> memref<1x64xi32, #tpu.memory_space<vmem>>
      %dma_start3A_226 = tpu.memref_squeeze %dma_start3A_225 : memref<1x64xi32, #tpu.memory_space<vmem>> -> memref<64xi32, #tpu.memory_space<vmem>>
      %dma_start3A_227 = arith.constant 0 : i32
      %dma_start3A_228 = arith.constant 0 : i32
      %dma_start3A_229 = tpu.memref_slice %arg10[%dma_start3A_227, %dma_start3A_228] : memref<528x768xf32, #tpu.memory_space<vmem_shared>> -> memref<528x768xf32, #tpu.memory_space<vmem_shared>>
      tpu.enqueue_indirect_dma source(%dma_start3A_223 : memref<64x768xf32, #tpu.memory_space<vmem>>) target(%dma_start3A_229 : memref<528x768xf32, #tpu.memory_space<vmem_shared>>) offsets(%dma_start3A_226 : memref<64xi32, #tpu.memory_space<vmem>>) semaphore(%run_scoped3A_219 : memref<!tpu.dma_semaphore, #tpu.memory_space<semaphore_mem>>) {add = true}
      %dma_wait3A_230 = arith.constant 0 : i32
      %dma_wait3A_231 = arith.constant 0 : i32
      %dma_wait3A_232 = tpu.memref_slice %arg9[%run_scoped3A_202, %dma_wait3A_230, %dma_wait3A_231] : memref<2x64x768xf32, #tpu.memory_space<vmem>> -> memref<1x64x768xf32, #tpu.memory_space<vmem>>
      %dma_wait3A_233 = tpu.memref_squeeze %dma_wait3A_232 : memref<1x64x768xf32, #tpu.memory_space<vmem>> -> memref<64x768xf32, #tpu.memory_space<vmem>>
      %dma_wait3A_234 = arith.constant 0 : i32
      %dma_wait3A_235 = tpu.memref_slice %arg11[%run_scoped3A_203, %dma_wait3A_234] : memref<2x64xi32, #tpu.memory_space<vmem>> -> memref<1x64xi32, #tpu.memory_space<vmem>>
      %dma_wait3A_236 = tpu.memref_squeeze %dma_wait3A_235 : memref<1x64xi32, #tpu.memory_space<vmem>> -> memref<64xi32, #tpu.memory_space<vmem>>
      %dma_wait3A_237 = arith.constant 0 : i32
      %dma_wait3A_238 = arith.constant 0 : i32
      %dma_wait3A_239 = tpu.memref_slice %arg10[%dma_wait3A_237, %dma_wait3A_238] : memref<528x768xf32, #tpu.memory_space<vmem_shared>> -> memref<528x768xf32, #tpu.memory_space<vmem_shared>>
      tpu.wait_indirect_dma semaphore(%run_scoped3A_219 : memref<!tpu.dma_semaphore, #tpu.memory_space<semaphore_mem>>) src(%dma_wait3A_233 : memref<64x768xf32, #tpu.memory_space<vmem>>) dst(%dma_wait3A_239 : memref<528x768xf32, #tpu.memory_space<vmem_shared>>)
      tpu.yield
    }) : () -> ()
    %dma_wait3A_204 = arith.constant 0 : i32
    %dma_wait3A_205 = arith.constant 0 : i32
    %dma_wait3A_206 = arith.constant 0 : i32
    %dma_wait3A_207 = tpu.memref_slice %arg9[%dma_wait3A_204, %dma_wait3A_205, %dma_wait3A_206] : memref<2x64x768xf32, #tpu.memory_space<vmem>> -> memref<1x64x768xf32, #tpu.memory_space<vmem>>
    %dma_wait3A_208 = tpu.memref_squeeze %dma_wait3A_207 : memref<1x64x768xf32, #tpu.memory_space<vmem>> -> memref<64x768xf32, #tpu.memory_space<vmem>>
    %dma_wait3A_209 = arith.constant 0 : i32
    %dma_wait3A_210 = arith.constant 0 : i32
    %dma_wait3A_211 = tpu.memref_slice %arg5[%dma_wait3A_209, %dma_wait3A_210] : memref<51200x768xf32, #tpu.memory_space<hbm>> -> memref<64x768xf32, #tpu.memory_space<hbm>>
    %dma_wait3A_212 = arith.constant 0 : i32
    %dma_wait3A_213 = arith.constant 0 : i32
    %dma_wait3A_214 = tpu.memref_slice %arg9[%dma_wait3A_204, %dma_wait3A_212, %dma_wait3A_213] : memref<2x64x768xf32, #tpu.memory_space<vmem>> -> memref<1x64x768xf32, #tpu.memory_space<vmem>>
    %dma_wait3A_215 = tpu.memref_squeeze %dma_wait3A_214 : memref<1x64x768xf32, #tpu.memory_space<vmem>> -> memref<64x768xf32, #tpu.memory_space<vmem>>
    %dma_wait3A_216 = arith.constant 0 : i32
    %dma_wait3A_217 = arith.constant 0 : i32
    %dma_wait3A_218 = tpu.memref_slice %arg5[%dma_wait3A_216, %dma_wait3A_217] : memref<51200x768xf32, #tpu.memory_space<hbm>> -> memref<64x768xf32, #tpu.memory_space<hbm>>
    tpu.wait_dma2 semaphore(%arg14 : memref<!tpu.dma_semaphore, #tpu.memory_space<semaphore_mem>>) src(%dma_wait3A_218 : memref<64x768xf32, #tpu.memory_space<hbm>>) dst(%dma_wait3A_215 : memref<64x768xf32, #tpu.memory_space<vmem>>)
    "tpu.region"() ({
      %run_scoped3A_219 = tpu.sem_alloc : memref<!tpu.dma_semaphore, #tpu.memory_space<semaphore_mem>>
      %dma_start3A_220 = arith.constant 0 : i32
      %dma_start3A_221 = tpu.memref_slice %arg6[%mul3A_2, %dma_start3A_220] : memref<1024x768xf32, #tpu.memory_space<hbm>> -> memref<32x768xf32, #tpu.memory_space<hbm>>
      %dma_start3A_222 = arith.constant 0 : i32
      %dma_start3A_223 = tpu.memref_slice %arg10[%mul3A_10, %dma_start3A_222] : memref<528x768xf32, #tpu.memory_space<vmem_shared>> -> memref<32x768xf32, #tpu.memory_space<vmem_shared>>
      tpu.enqueue_dma source(%dma_start3A_223 : memref<32x768xf32, #tpu.memory_space<vmem_shared>>) target(%dma_start3A_221 : memref<32x768xf32, #tpu.memory_space<hbm>>) target_semaphore(%run_scoped3A_219 : memref<!tpu.dma_semaphore, #tpu.memory_space<semaphore_mem>>)
      %dma_wait3A_224 = arith.constant 0 : i32
      %dma_wait3A_225 = tpu.memref_slice %arg6[%mul3A_2, %dma_wait3A_224] : memref<1024x768xf32, #tpu.memory_space<hbm>> -> memref<32x768xf32, #tpu.memory_space<hbm>>
      %dma_wait3A_226 = arith.constant 0 : i32
      %dma_wait3A_227 = tpu.memref_slice %arg10[%mul3A_10, %dma_wait3A_226] : memref<528x768xf32, #tpu.memory_space<vmem_shared>> -> memref<32x768xf32, #tpu.memory_space<vmem_shared>>
      tpu.wait_dma2 semaphore(%run_scoped3A_219 : memref<!tpu.dma_semaphore, #tpu.memory_space<semaphore_mem>>) src(%dma_wait3A_227 : memref<32x768xf32, #tpu.memory_space<vmem_shared>>) dst(%dma_wait3A_225 : memref<32x768xf32, #tpu.memory_space<hbm>>)
      tpu.yield
    }) : () -> ()
    return
  }
}

</mosaic_0001>

<sc_bundles>
// kernel: kernel.3.cloned.1.call-start
scs
__scs_entry_jumppad:
0x0: {  	(pc) =	sbr.rel $0x88, $3  }
0x1: {  	(tag) =	ssettag $0x0;
	lr =	simm.s32 $0x1  }
0x2: {  	[smem:$0x3F9E] =	sst lr;
	_ =	strace $0xD0000000  }
0x3: {  	_ = 	snop  }
0x4: {  	_ = 	snop  }
0x5: {  	_ = 	snop  }
0x6: {  	_ = 	snop  }
0x7: {  	_ = 	snop  }
__scs_overlays_trampoline_lowered:
0x8: {  	[smem:$0x3FAD] =	sst s0  }
0x9: {  	[smem:$0x3FAE] =	sst s1  }
0xa: {  	[smem:$0x3FAF] =	sst s2  }
0xb: {  	[smem:$0x3FB0] =	sst s3  }
0xc: {  	[smem:$0x3FB1] =	sst s4  }
0xd: {  	[smem:$0x3FB2] =	sst s5  }
0xe: {  	[smem:$0x3FB3] =	sst s6  }
0xf: {  	[smem:$0x3FB4] =	sst s7  }
0x10: {  	[smem:$0x3FB5] =	sst s8  }
0x11: {  	[smem:$0x3FB6] =	sst s9;
	s0 =	simm.s32 @!p0 $0x0  }
0x12: {  	s1 =	sld [smem:$0x3F9C];
	s0 =	simm.s32 @p0 $0x1  }
0x13: {  	[smem:$0x3FB7] =	sst s0;
	s0 =	simm.s32 @!p1 $0x0  }
0x14: {  	s2 =	sld [smem:$0x3F9B];
	s0 =	simm.s32 @p1 $0x1  }
0x15: {  	[smem:$0x3FB8] =	sst s0;
	s0 =	simm.s32 @!p2 $0x0  }
0x16: {  	s3 =	sld [smem:$0x3FDB];
	s0 =	simm.s32 @p2 $0x1  }
0x17: {  	s4 =	simm.s32 $0x1BF5;
	[smem:$0x3FBA] =	sst s0  }
0x18: {  	s0 =	sld [smem:$0x3F9D];
	_ =	swait.ge [sflag:s4], $0x0  }
0x19: {  	s7 =	sld [smem:$0x3F9E]  }
0x1a: {  	s8 =	sadd.s32 $0xFFFFE003, lr  }
0x1b: {  	s9 =	sadd.s32 $0xFFFFFEF7, lr;
	s5 =	simm.s32 $0xFFFFFFFF;
	p2 =	slt.u32 s8, $0xFFFFF086  }
0x1c: {  	p1 =	slt.u32 s9, $0xF7A;
	s5 =	simm.s32 @!p2 $0x0  }
0x1d: {  	s5 =	simm.s32 @p1 $0x1;
	p0 =	seq.s32 s7, s2  }
0x1e: {  	s7 =	smul.u32 @!p0 $0xF7A, s2;
	p2 =	seq.s32 @!p0 s5, $0x0  }
0x1f: {  	s9 =	smul.u32 $0xF7A, s1;
	s8 =	simm.s32 @!p0 $0x1BF5;
	p2 =	por !p2, p0  }
0x20: {  	[sflag:s8] =	ssyncset.s32 @!p0 $0xFFFFF086;
	s6 =	sadd.s32 @!p0 s3, s7;
	s7 =	simm.s32 @!p0 $0x108  }
0x21: {  	s3 =	sadd.s32 s3, s9;
	s6 =	sadd.s32 @!p0 $0x88, s6;
	s7 =	simm.s32 @p2 $0x1082  }
0x22: {  	[simem:s7], [sflag:s8] =	dma.local @!p0 [hbm:s6], $0xF7A  }
0x23: {  	s9 =	sor.u32 $0xD0000000, s2;
	s6 =	simm.s32 $0x108;
	_ =	swait.ge @!p0 [sflag:s8], $0x0  }
0x24: {  	s3 =	sadd.s32 $0x88, s3;
	s6 =	simm.s32 @!p1 $0x1082;
	[sflag:s4] =	ssyncset.s32 $0xFFFFF086  }
0x25: {  	[simem:s6], [sflag:s4] =	dma.local [hbm:s3], $0xF7A  }
0x26: {  	[smem:$0x3F9E] =	sst s1;
	(tag) =	ssettag s2;
	_ =	strace s9  }
0x27: {  	s1 =	sld [smem:$0x3FAE]  }
0x28: {  	s2 =	sld [smem:$0x3FAF]  }
0x29: {  	s4 =	sld [smem:$0x3FB1]  }
0x2a: {  	p0 =	seq.s32 s5, $0x0;
	s5 =	sld [smem:$0x3FB2]  }
0x2b: {  	s6 =	sld [smem:$0x3FB3]  }
0x2c: {  	s7 =	sld [smem:$0x3FB4]  }
0x2d: {  	s3 =	simm.s32 $0x108;
	s8 =	sld [smem:$0x3FB5]  }
0x2e: {  	s3 =	simm.s32 @!p0 $0x1082;
	s9 =	sld [smem:$0x3FB6]  }
0x2f: {  	lr =	sadd.s32 s0, s3;
	s0 =	sld [smem:$0x3FAD]  }
0x30: {  	s3 =	sld [smem:$0x3FB0]  }
0x31: {  	[smem:$0x3FB9] =	sst s10  }
0x32: {  	s10 =	sld [smem:$0x3FB7];
	_ =	sdelay $0x3  }
0x33: {  	p0 =	seq.s32 s10, $0x1;
	s10 =	sld [smem:$0x3FB9];
	_ =	sdelay $0x3  }
0x34: {  	[smem:$0x3FB9] =	sst s10  }
0x35: {  	s10 =	sld [smem:$0x3FB8];
	_ =	sdelay $0x3  }
0x36: {  	p1 =	seq.s32 s10, $0x1;
	s10 =	sld [smem:$0x3FB9];
	_ =	sdelay $0x3  }
0x37: {  	[smem:$0x3FB9] =	sst s10  }
0x38: {  	s10 =	sld [smem:$0x3FBA]  }
0x39: {  	_ = 	snop;
	(pc) =	sbr.ind lr, $3  }
0x3a: {  	_ = 	snop  }
0x3b: {  	_ = 	snop  }
0x3c: {  	p2 =	seq.s32 s10, $0x1;
	s10 =	sld [smem:$0x3FB9]  }
0x3d: {  	_ =	shalt  }
0x3e: {  	_ =	shalt  }
0x3f: {  	_ =	shalt  }
0x40: {  	_ =	shalt  }
0x41: {  	_ =	shalt  }
0x42: {  	_ =	shalt  }
0x43: {  	_ =	shalt  }
0x44: {  	_ =	shalt  }
0x45: {  	_ =	shalt  }
0x46: {  	_ =	shalt  }
0x47: {  	_ =	shalt  }
0x48: {  	_ =	shalt  }
0x49: {  	_ =	shalt  }
0x4a: {  	_ =	shalt  }
0x4b: {  	_ =	shalt  }
0x4c: {  	_ =	shalt  }
0x4d: {  	_ =	shalt  }
0x4e: {  	_ =	shalt  }
0x4f: {  	_ =	shalt  }
0x50: {  	_ =	shalt  }
0x51: {  	_ =	shalt  }
0x52: {  	_ =	shalt  }
0x53: {  	_ =	shalt  }
0x54: {  	_ =	shalt  }
0x55: {  	_ =	shalt  }
0x56: {  	_ =	shalt  }
0x57: {  	_ =	shalt  }
0x58: {  	_ =	shalt  }
0x59: {  	_ =	shalt  }
0x5a: {  	_ =	shalt  }
0x5b: {  	_ =	shalt  }
0x5c: {  	_ =	shalt  }
0x5d: {  	_ =	shalt  }
0x5e: {  	_ =	shalt  }
0x5f: {  	_ =	shalt  }
0x60: {  	_ =	shalt  }
0x61: {  	_ =	shalt  }
0x62: {  	_ =	shalt  }
0x63: {  	_ =	shalt  }
0x64: {  	_ =	shalt  }
0x65: {  	_ =	shalt  }
0x66: {  	_ =	shalt  }
0x67: {  	_ =	shalt  }
0x68: {  	_ =	shalt  }
0x69: {  	_ =	shalt  }
0x6a: {  	_ =	shalt  }
0x6b: {  	_ =	shalt  }
0x6c: {  	_ =	shalt  }
0x6d: {  	_ =	shalt  }
0x6e: {  	_ =	shalt  }
0x6f: {  	_ =	shalt  }
0x70: {  	_ =	shalt  }
0x71: {  	_ =	shalt  }
0x72: {  	_ =	shalt  }
0x73: {  	_ =	shalt  }
0x74: {  	_ =	shalt  }
0x75: {  	_ =	shalt  }
0x76: {  	_ =	shalt  }
0x77: {  	_ =	shalt  }
0x78: {  	_ =	shalt  }
0x79: {  	_ =	shalt  }
0x7a: {  	_ =	shalt  }
0x7b: {  	_ =	shalt  }
0x7c: {  	_ =	shalt  }
0x7d: {  	_ =	shalt  }
0x7e: {  	_ =	shalt  }
0x7f: {  	_ =	shalt  }
0x80: {  	_ =	shalt  }
0x81: {  	_ =	shalt  }
0x82: {  	_ =	shalt  }
0x83: {  	_ =	shalt  }
0x84: {  	_ =	shalt  }
0x85: {  	_ =	shalt  }
0x86: {  	_ =	shalt  }
0x87: {  	_ =	shalt  }
.Lfunc_end0:
.L_simem_size_0:
called_computation.1_lowered:
.L_overlay_start_0:
0x88: {  	s2 =	sld [smem:$0x3FD9]  }
0x89: {  	s3 =	sld [smem:$0x3FFE];
	_ =	sdelay $0x1  }
0x8a: {  	s1 =	srdreg.scid  }
0x8b: {  	s0 =	sand.u32 $0x1, s1  }
0x8c: {  	s14 =	sshll.u32 s0, $0xA;
	s2 =	sadd.s32 s3, s2  }
0x8d: {  	s2 =	sadd.s32 s2, s14  }
0x8e: {  	[smem:$0x3FC5] =	sst s2  }
0x8f: {  	_ = 	snop  }
0x90: {  	s2 =	sld [smem:$0x3FD0];
	_ =	sdelay $0x2  }
0x91: {  	s15 =	simm.s32 $0xA;
	s4 =	simm.s32 $0x10  }
0x92: {  	[smem:s4], [sflag:s15] =	dma.local [hbm:s2], $0x1  }
0x93: {  	_ =	swait.eq [sflag:s15], $0x1  }
0x94: {  	[sflag:s15] =	ssyncset.done $0x0  }
0x95: {  	s16 =	sld [smem:$0x10];
	[sflag:s15] =	ssyncadd.s32 $0xFFFFFFFF  }
0x96: {  	s17 =	sld [smem:$0x11];
	(tm) =	ssettm $0x1  }
0x97: {  	s18 =	sld [smem:$0x3FFB];
	_ =	sdelay $0x3  }
0x98: {  	_ =	strace s18  }
0x99: {  	s4 =	sld [smem:$0x3FFC];
	_ =	sdelay $0x3  }
0x9a: {  	_ =	strace s4  }
0x9b: {  	s4 =	sld [smem:$0x3FFD];
	_ =	sdelay $0x3  }
0x9c: {  	_ =	strace s4  }
0x9d: {  	_ =	strace $0x8FFFFFFF  }
0x9e: {  	s19 =	sld [smem:$0x3FDB];
	_ =	sdelay $0x1  }
0x9f: {  	s5 =	simm.s32 $_scs_section_size  }
0xa0: {  	s6 =	simm.s32 $_size__tile_overlayer_lowered;
	s7 =	simm.s32 $_tile_overlayer_lowered  }
0xa1: {  	s22 =	simm.s32 $0x1BFF;
	s21 =	sshll.u32 s7, $0x1;
	s4 =	sadd.s32 s5, s19  }
0xa2: {  	s8 =	simm.s32 $0x0;
	s20 =	sshll.u32 s6, $0x1;
	s6 =	sadd.s32 s21, s4  }
0xa3: {  	[timem:s8], [sflag:s22] =	dma.local [hbm:s6], s20  }
0xa4: {  	_ =	swait.ge [sflag:s22], s20  }
0xa5: {  	s5 =	ssub.s32 $0x0, s20;
	[sflag:s22] =	ssyncset.done $0x0  }
0xa6: {  	[sflag:s22] =	ssyncadd.s32 s5;
	_ =	sdelay $0x1  }
0xa7: {  	s23 =	simm.s32 $0x1B8B  }
0xa8: {  	_ =	swait.ge [sflag:s23], $0x1  }
0xa9: {  	[sflag:s23] =	ssyncset.done $0x0  }
0xaa: {  	s25 =	simm.s32 $0x1B8E;
	s24 =	sld [smem:$0x3FFE];
	[sflag:s23] =	ssyncadd.s32 $0xFFFFFFFF  }
0xab: {  	s26 =	simm.s32 $execute0_lowered;
	[smem:$0x3FD2] =	sst s25  }
0xac: {  	s6 =	sshll.u32 s26, $0x1;
	_ =	strace $0x80000046;
	[dreg:$0x1] =	wrdreg $0xFFFFFFFF  }
0xad: {  	s28 =	simm.s32 $_size_execute0_lowered;
	s4 =	sadd.s32 s4, s6;
	[dreg:$0x0] =	wrdreg $0x0  }
0xae: {  	s6 =	sshll.u32 s28, $0x1;
	[dreg:$0x2] =	wrdreg s4  }
0xaf: {  	[dreg:$0x3] =	wrdreg s6  }
0xb0: {  	[dreg:$0x4] =	wrdreg $0xC0  }
0xb1: {  	_ =	task [dreg:s8], $0x5FFFF  }
0xb2: {  	[dreg:$0x1] =	wrdreg $0xFFFFFFFF  }
0xb3: {  	[dreg:$0x0] =	wrdreg $0x60  }
0xb4: {  	[dreg:$0x2] =	wrdreg s24  }
0xb5: {  	[dreg:$0x3] =	wrdreg s16  }
0xb6: {  	[dreg:$0x4] =	wrdreg s17  }
0xb7: {  	[dreg:$0x5] =	wrdreg $0x18E400  }
0xb8: {  	[dreg:$0x6] =	wrdreg $0x9  }
0xb9: {  	_ =	task.clear_ibuf [dreg:s8], $0x7FFFF;
	_ =	strace $0x90000046  }
0xba: {  	s29 =	simm.s32 $0x9;
	_ =	strace $0x80000048  }
0xbb: {  	_ =	swait.ge [sflag:s29], $0x1  }
0xbc: {  	[sflag:s29] =	ssyncadd.s32 $0xFFFFFFFF  }
0xbd: {  	_ =	strace $0x90000048  }
0xbe: {  	_ =	sfence  }
0xbf: {  	s30 =	sld [smem:$0x0];
	_ =	sdelay $0x2  }
0xc0: {  	s31 =	sshll.u32 s1, $0xD;
	s1 =	sshrl.u32 s1, $0x2  }
0xc1: {  	s3 =	sand.u32 $0x4000, s31;
	s1 =	sadd.s32 s1, s30  }
0xc2: {  	s0 =	sor.u32 s3, s0;
	s1 =	sshll.u32 s1, $0x11  }
0xc3: {  	s0 =	sor.u32 s1, s0  }
0xc4: {  	s0 =	sadd.s32 $0x8F2B, s0  }
0xc5: {  	[sflag:s0] =	ssyncadd.remote.s32 $0x1  }
0xc6: {  	_ =	sfence.sel $0xFFFF  }
0xc7: {  	[dreg:$0x0] =	wrdreg $0xFFFFFFFF;
	(pc) =	sbr.abs _section_cstart, $3  }
0xc8: {  	[dreg:$0x1] =	wrdreg $0xFFFFFFFF  }
0xc9: {  	_ =	task.clear_ibuf [dreg:s8], $0x2FFFF;
	_ =	strace $0x9FFFFFFF  }
0xca: {  	(tm) =	ssettm $0x7FFFFFFF  }
0xcb: {  	_ =	shalt  }
tec
execute0_lowered:
.L_overlay_start_1:
0x0: {  	(tag) =	ssettag $0x1  }
0x1: {  	s4 =	rddreg [dreg:$0x0]  }
0x2: {  	s1 =	srdreg.scid;
	s11 =	rddreg [dreg:$0x1]  }
0x3: {  	s0 =	stileid.u32;
	s10 =	rddreg [dreg:$0x2]  }
0x4: {  	s2 =	rddreg [dreg:$0x3];
	s12 =	smul.u32 $0x21, s0  }
0x5: {  	s3 =	simm.s32 $0x0;
	s16 =	simm.s32 $0xCE40;
	s19 =	smul.u32 $0x18C00, s0  }
0x6: {  	s9 =	sand.u32 $0x1, s1;
	s17 =	sshll.u32 s0, $0x1;
	s25 =	smul.u32 $0x4B000, s0  }
0x7: {  	[smem:$0x7FF] =	sst s3;
	s7 =	sor.u32 s9, s17;
	s15 =	smul.u32 $0x25800, s9  }
0x8: {  	_ =	strace $0x80000047;
	s8 =	ssub.s32 $0x2, s9;
	s5 =	smul.u32 $0x640, s7  }
0x9: {  	s17 =	simm.s32 $0x1;
	s6 =	sshll.u32 s7, $0x8;
	s14 =	smul.u32 $0x12C000, s7  }
0xa: {  	s13 =	sshrl.u32 s8, $0x1;
	s22 =	smul.u32 $0xC00, s7;
	s23 =	sshrl.u32 s19, $0x2  }
0xb: {  	v0 =	vmov s12;
	s12 =	simm.s32 $0x3;
	s19 =	simm.s32 $0x1F180;
	s6 =	sadd.s32 s6, s4  }
0xc: {  	s13 =	ssub.s32 s8, s13;
	s26 =	sadd.s32 s23, s2;
	[dreg:$0x5] =	wrdreg s19  }
0xd: {  	v2 =	vimm.s32 $0x2F2E2D2C;
	s19 =	simm.s32 $0x2;
	s5 =	sshrl.u32 s5, $0x3;
	s20 =	sadd.s32 $0x2400, s6  }
0xe: {  	v1 =	vimm.f32 $0.0e+00;
	v3 =	vunpack.c.0.s8.s32 v2;
	v2 =	vimm.s32 $0x1003130;
	s21 =	sshrl.u32 s14, $0x3;
	[dreg:$0x8] =	wrdreg s26;
	s29 =	sadd.s32 s10, s22  }
0xf: {  	v5 =	vimm.s32 $0x2B2A2928;
	v4 =	vunpack.c.0.s8.s32 v2;
	v2 =	vimm.s32 $0x27262524;
	s30 =	smax.u32 s13, $0x1;
	s14 =	simm.s32 $0xE40;
	[dreg:$0x7] =	wrdreg s20  }
0x10: {  	vm1 =	vcmask $0x1F10;
	v5 =	vunpack.c.0.s8.s32 v5;
	v6 =	vunpack.c.0.s8.s32 v2;
	s5 =	sadd.s32 s5, s4;
	s4 =	sadd.s32 $0x4400, s4;
	[dreg:$0xa] =	wrdreg s29  }
0x11: {  	vm0 =	vmmov $0x3fff;
	v2 =	vlaneseq.u32;
	v3 =	vsel vm1, v4, v3;
	s24 =	sadd.s32 s11, s21;
	[dreg:$0xb] =	wrdreg s30;
	s18 =	sadd.s32 $0xA00, s5  }
0x12: {  	v7 =	vadd.s32 $0x12, v2;
	v8 =	vadd.s32 $0x22, v2;
	v4 =	vsel vm1, v5, v6;
	s11 =	sadd.s32 s25, s11;
	s28 =	sadd.s32 $0x24000, s24;
	[dreg:$0x6] =	wrdreg s18  }
0x13: {  	vm1 =	vcmask $0x3700;
	v5 =	vimm.s32 $0x1F;
	v6 =	vadd.s32 $0x2, v2;
	s20 =	simm.s32 $0x0;
	s31 =	sadd.s32 s15, s11;
	[dreg:$0x9] =	wrdreg s28  }
0x14: {  	v3 =	vcombine.low v4, v3;
	v4 =	vsel vm1, $0x1E, v5;
	v5 =	vimm.s32 $0x20;
	s15 =	simm.s32 $0x40;
	[dreg:$0xc] =	wrdreg s31;
	s18 =	simm.s32 $0x1F140  }
.LBB2_1:
0x15: {  	s0 =	rddreg [dreg:$0x6]  }
0x16: {  	[tilespmem:s3], [sflag:$0x3] =	stream.linear.gather [hbm4b:s0+s3], $0x640, $0x38;
	[tilespmem:$0x1F1C0] =	vst v63  }
0x17: {  	_ =	swait.ge [sflag:s12], $0x640  }
0x18: {  	[sflag:s12] =	ssyncset.done $0x0  }
0x19: {  	s1 =	simm.s32 $0x640;
	s22 =	rddreg [dreg:$0x7];
	[sflag:s12] =	ssyncadd.s32 $0xFFFFF9C0  }
0x1a: {  	[tilespmem:s1], [sflag:$0x3] =	stream.linear.gather [hbm4b:s22+s3], $0x800, $0x38;
	[tilespmem:$0x1F1C0] =	vst v63  }
0x1b: {  	_ =	swait.ge [sflag:s12], $0x800  }
0x1c: {  	[sflag:s12] =	ssyncset.done $0x0  }
0x1d: {  	s21 =	simm.s32 $0x660;
	[sflag:s12] =	ssyncadd.s32 $0xFFFFF800  }
0x1e: {  	v9 =	vld [tilespmem:s21+$0xFFFFFFE0]  }
0x1f: {  	v10 =	vld [tilespmem:s21+$0xFFFFFFF0]  }
0x20: {  	v11 =	vld [tilespmem:s21+$0x0]  }
0x21: {  	v12 =	vld [tilespmem:s21+$0x10];
	_ =	sdelay $0x2  }
0x22: {  	v9 =	vadd.s32 v9, v10  }
0x23: {  	v9 =	vadd.s32 v11, v9  }
0x24: {  	v10 =	vadd.s32 v12, v9  }
0x25: {  	(v2sf) =	vpush v10, $0x0  }
0x26: {  	(v2sf) =	vpush v10, $0x1  }
0x27: {  	(v2sf) =	vpush v10, $0x2  }
0x28: {  	(v2sf) =	vpush v10, $0x3  }
0x29: {  	(v2sf) =	vpush v10, $0x4  }
0x2a: {  	(v2sf) =	vpush v10, $0x5  }
0x2b: {  	s23 =	simm.s32 $0x6A0;
	(v2sf) =	vpush v10, $0x6  }
0x2c: {  	v11 =	vld [tilespmem:s23+$0xFFFFFFF0];
	(v2sf) =	vpush v10, $0x7  }
0x2d: {  	v9 =	vld [tilespmem:s23+$0xFFFFFFE0];
	(v2sf) =	vpush v10, $0x8  }
0x2e: {  	v12 =	vld [tilespmem:s23+$0x0];
	(v2sf) =	vpush v10, $0x9  }
0x2f: {  	v13 =	vld [tilespmem:s23+$0x10];
	(v2sf) =	vpush v10, $0xA  }
0x30: {  	(v2sf) =	vpush v10, $0xB  }
0x31: {  	(v2sf) =	vpush v10, $0xC  }
0x32: {  	v9 =	vadd.s32 v9, v11;
	(v2sf) =	vpush v10, $0xD  }
0x33: {  	v9 =	vadd.s32 v12, v9;
	(v2sf) =	vpush v10, $0xE  }
0x34: {  	v9 =	vadd.s32 v13, v9;
	s24 =	spop (v2sf);
	(v2sf) =	vpush v10, $0xF  }
0x35: {  	(v2sf) =	vpush v9, $0x0;
	s22 =	spop (v2sf)  }
0x36: {  	(v2sf) =	vpush v9, $0x1;
	s21 =	sadd.s32 s22, s24;
	s25 =	spop (v2sf)  }
0x37: {  	(v2sf) =	vpush v9, $0x2;
	s21 =	sadd.s32 s25, s21;
	s26 =	spop (v2sf)  }
0x38: {  	(v2sf) =	vpush v9, $0x3;
	s21 =	sadd.s32 s26, s21;
	s29 =	spop (v2sf)  }
0x39: {  	(v2sf) =	vpush v9, $0x4;
	s22 =	sadd.s32 s29, s21;
	s23 =	spop (v2sf)  }
0x3a: {  	s24 =	simm.s32 $0x6E0;
	(v2sf) =	vpush v9, $0x5;
	s22 =	sadd.s32 s23, s22;
	s30 =	spop (v2sf)  }
0x3b: {  	s21 =	simm.s32 $0x4;
	(v2sf) =	vpush v9, $0x6;
	s23 =	sadd.s32 s30, s22;
	s25 =	spop (v2sf)  }
0x3c: {  	v10 =	vld [tilespmem:s24+$0xFFFFFFE0];
	s22 =	simm.s32 $0x8;
	(v2sf) =	vpush v9, $0x7;
	s23 =	sadd.s32 s25, s23;
	s31 =	spop (v2sf)  }
0x3d: {  	v11 =	vld [tilespmem:s24+$0xFFFFFFF0];
	s25 =	simm.s32 $0xC;
	(v2sf) =	vpush v9, $0x8;
	s23 =	sadd.s32 s31, s23;
	s26 =	spop (v2sf)  }
0x3e: {  	v12 =	vld [tilespmem:s24+$0x0];
	(v2sf) =	vpush v9, $0x9;
	s26 =	sadd.s32 s26, s23;
	s28 =	spop (v2sf);
	s23 =	simm.s32 $0x0  }
.LBB2_2:
0x3f: {  	p0 =	sne.s32 s25, $0x7C;
	v13 =	vld [tilespmem:s24+$0x10];
	(v2sf) =	vpush v9, $0xA;
	s26 =	sadd.s32 s28, s26;
	s28 =	spop (v2sf)  }
0x40: {  	(v2sf) =	vpush v9, $0xB;
	s26 =	sadd.s32 s28, s26;
	s28 =	spop (v2sf)  }
0x41: {  	(v2sf) =	vpush v9, $0xC;
	s26 =	sadd.s32 s28, s26;
	s28 =	spop (v2sf)  }
0x42: {  	v10 =	vadd.s32 v10, v11;
	(v2sf) =	vpush v9, $0xD;
	s26 =	sadd.s32 s28, s26;
	s28 =	spop (v2sf)  }
0x43: {  	v10 =	vadd.s32 v12, v10;
	(v2sf) =	vpush v9, $0xE;
	s26 =	sadd.s32 s28, s26;
	s28 =	spop (v2sf)  }
0x44: {  	s23 =	sshra.s32 s23, $0x2;
	s29 =	spop (v2sf);
	(v2sf) =	vpush v9, $0xF;
	v9 =	vadd.s32 v13, v10;
	s26 =	sadd.s32 s28, s26  }
0x45: {  	(v2sf) =	vpush v9, $0x0;
	s28 =	spop (v2sf);
	[smem:s23] =	sst s26;
	s23 =	smov.u32 s21  }
0x46: {  	s21 =	smov.u32 s22;
	(v2sf) =	vpush v9, $0x1;
	s26 =	sadd.s32 s28, s29;
	s28 =	spop (v2sf)  }
0x47: {  	s22 =	smov.u32 s25;
	(v2sf) =	vpush v9, $0x2;
	s26 =	sadd.s32 s28, s26;
	s28 =	spop (v2sf)  }
0x48: {  	(v2sf) =	vpush v9, $0x3;
	s26 =	sadd.s32 s28, s26;
	s28 =	spop (v2sf)  }
0x49: {  	(v2sf) =	vpush v9, $0x4;
	s26 =	sadd.s32 s28, s26;
	s28 =	spop (v2sf)  }
.Ltmp0:
0x4a: {  	(v2sf) =	vpush v9, $0x5;
	s26 =	sadd.s32 s28, s26;
	s28 =	spop (v2sf);
	(pc) =	sbr.rel @p0 .LBB2_2-.Ltmp0, $4  }
0x4b: {  	s24 =	sadd.s32 $0x40, s24;
	(v2sf) =	vpush v9, $0x6;
	s26 =	sadd.s32 s28, s26;
	s28 =	spop (v2sf)  }
0x4c: {  	v10 =	vld [tilespmem:s24+$0xFFFFFFE0];
	(v2sf) =	vpush v9, $0x7;
	s26 =	sadd.s32 s28, s26;
	s28 =	spop (v2sf)  }
0x4d: {  	v11 =	vld [tilespmem:s24+$0xFFFFFFF0];
	(v2sf) =	vpush v9, $0x8;
	s26 =	sadd.s32 s28, s26;
	s28 =	spop (v2sf)  }
0x4e: {  	s25 =	sadd.s32 $0x4, s25;
	v12 =	vld [tilespmem:s24+$0x0];
	(v2sf) =	vpush v9, $0x9;
	s26 =	sadd.s32 s28, s26;
	s28 =	spop (v2sf)  }
0x4f: {  	v13 =	vld [tilespmem:s24+$0x10];
	(v2sf) =	vpush v9, $0xA;
	s24 =	spop (v2sf)  }
0x50: {  	(v2sf) =	vpush v9, $0xB;
	s25 =	spop (v2sf)  }
0x51: {  	(v2sf) =	vpush v9, $0xC;
	s29 =	spop (v2sf)  }
0x52: {  	v10 =	vadd.s32 v10, v11;
	(v2sf) =	vpush v9, $0xD;
	s30 =	spop (v2sf)  }
0x53: {  	v10 =	vadd.s32 v12, v10;
	(v2sf) =	vpush v9, $0xE;
	s31 =	spop (v2sf)  }
0x54: {  	v10 =	vadd.s32 v13, v10;
	s1 =	spop (v2sf);
	(v2sf) =	vpush v9, $0xF  }
0x55: {  	(v2sf) =	vpush v10, $0x0;
	s13 =	spop (v2sf)  }
0x56: {  	(v2sf) =	vpush v10, $0x1;
	s0 =	spop (v2sf)  }
0x57: {  	(v2sf) =	vpush v10, $0x2;
	s5 =	spop (v2sf)  }
0x58: {  	(v2sf) =	vpush v10, $0x3;
	s6 =	spop (v2sf)  }
0x59: {  	(v2sf) =	vpush v10, $0x4;
	s8 =	spop (v2sf)  }
0x5a: {  	(v2sf) =	vpush v10, $0x5;
	s9 =	spop (v2sf)  }
0x5b: {  	(v2sf) =	vpush v10, $0x6;
	s10 =	spop (v2sf)  }
0x5c: {  	(v2sf) =	vpush v10, $0x7;
	s7 =	spop (v2sf)  }
0x5d: {  	(v2sf) =	vpush v10, $0x8;
	s11 =	spop (v2sf)  }
0x5e: {  	s26 =	sadd.s32 s28, s26;
	(v2sf) =	vpush v10, $0x9;
	s28 =	spop (v2sf)  }
0x5f: {  	s24 =	sadd.s32 s24, s26;
	(v2sf) =	vpush v10, $0xA;
	s26 =	spop (v2sf)  }
0x60: {  	s24 =	sadd.s32 s25, s24;
	(v2sf) =	vpush v10, $0xB;
	s25 =	spop (v2sf)  }
0x61: {  	s24 =	sadd.s32 s29, s24;
	(v2sf) =	vpush v10, $0xC;
	s29 =	spop (v2sf)  }
0x62: {  	s24 =	sadd.s32 s30, s24;
	(v2sf) =	vpush v10, $0xD;
	s30 =	spop (v2sf)  }
0x63: {  	s24 =	sadd.s32 s31, s24;
	(v2sf) =	vpush v10, $0xE;
	s31 =	spop (v2sf)  }
0x64: {  	s23 =	sshra.s32 s23, $0x2;
	s1 =	sadd.s32 s13, s1;
	s13 =	spop (v2sf);
	(v2sf) =	vpush v10, $0xF  }
0x65: {  	[smem:s23] =	sst s24;
	s0 =	sadd.s32 s0, s1;
	s24 =	spop (v2sf)  }
0x66: {  	s0 =	sadd.s32 s5, s0;
	s1 =	sadd.s32 s24, s13;
	s13 =	spop (v2sf)  }
0x67: {  	s0 =	sadd.s32 s6, s0;
	s1 =	sadd.s32 s13, s1;
	s23 =	spop (v2sf)  }
0x68: {  	s0 =	sadd.s32 s8, s0;
	s1 =	sadd.s32 s23, s1;
	s24 =	spop (v2sf)  }
0x69: {  	s0 =	sadd.s32 s9, s0;
	s1 =	sadd.s32 s24, s1;
	s6 =	spop (v2sf)  }
0x6a: {  	s0 =	sadd.s32 s10, s0;
	s1 =	sadd.s32 s6, s1;
	s8 =	spop (v2sf)  }
0x6b: {  	s0 =	sadd.s32 s7, s0;
	s1 =	sadd.s32 s8, s1;
	s9 =	spop (v2sf)  }
0x6c: {  	s0 =	sadd.s32 s11, s0;
	s1 =	sadd.s32 s9, s1;
	s10 =	spop (v2sf)  }
0x6d: {  	s0 =	sadd.s32 s28, s0;
	s1 =	sadd.s32 s10, s1;
	s11 =	spop (v2sf)  }
0x6e: {  	s28 =	sshra.s32 s21, $0x2;
	s1 =	sadd.s32 s11, s1;
	s13 =	spop (v2sf)  }
0x6f: {  	s0 =	sadd.s32 s26, s0;
	s1 =	sadd.s32 s13, s1;
	s23 =	spop (v2sf)  }
0x70: {  	s0 =	sadd.s32 s25, s0;
	s1 =	sadd.s32 s23, s1;
	s24 =	spop (v2sf)  }
0x71: {  	s0 =	sadd.s32 s29, s0;
	s1 =	sadd.s32 s24, s1;
	s25 =	spop (v2sf)  }
0x72: {  	s0 =	sadd.s32 s30, s0;
	s1 =	sadd.s32 s25, s1;
	s26 =	spop (v2sf)  }
0x73: {  	s0 =	sadd.s32 s31, s0;
	s1 =	sadd.s32 s26, s1;
	s29 =	spop (v2sf)  }
0x74: {  	s31 =	sshra.s32 s22, $0x2;
	[smem:s28] =	sst s0;
	s30 =	sadd.s32 s29, s1  }
0x75: {  	s21 =	simm.s32 $0x2F0;
	s22 =	simm.s32 $0x17C0;
	[smem:s31] =	sst s30  }
.LBB2_4:
0x76: {  	p0 =	sne.s32 s22, $0x18BC0;
	[tilespmem:s21+$0xE40] =	vst v1  }
0x77: {  	[tilespmem:s21+$0xB50] =	vst v1  }
0x78: {  	[tilespmem:s21+$0xB60] =	vst v1  }
0x79: {  	[tilespmem:s21+$0xB70] =	vst v1  }
0x7a: {  	[tilespmem:s21+$0xB80] =	vst v1  }
0x7b: {  	[tilespmem:s21+$0xB90] =	vst v1  }
0x7c: {  	[tilespmem:s21+$0xBA0] =	vst v1  }
0x7d: {  	[tilespmem:s21+$0xBB0] =	vst v1  }
0x7e: {  	[tilespmem:s21+$0xBC0] =	vst v1  }
0x7f: {  	[tilespmem:s21+$0xBD0] =	vst v1  }
0x80: {  	[tilespmem:s21+$0xBE0] =	vst v1  }
0x81: {  	[tilespmem:s21+$0xBF0] =	vst v1  }
0x82: {  	[tilespmem:s21+$0xC00] =	vst v1  }
0x83: {  	[tilespmem:s21+$0xC10] =	vst v1  }
0x84: {  	[tilespmem:s21+$0xC20] =	vst v1  }
0x85: {  	[tilespmem:s21+$0xC30] =	vst v1  }
0x86: {  	[tilespmem:s21+$0xC40] =	vst v1  }
0x87: {  	[tilespmem:s21+$0xC50] =	vst v1  }
0x88: {  	[tilespmem:s21+$0xC60] =	vst v1  }
0x89: {  	[tilespmem:s21+$0xC70] =	vst v1  }
0x8a: {  	[tilespmem:s21+$0xC80] =	vst v1  }
0x8b: {  	[tilespmem:s21+$0xC90] =	vst v1  }
0x8c: {  	[tilespmem:s21+$0xCA0] =	vst v1  }
0x8d: {  	[tilespmem:s21+$0xCB0] =	vst v1  }
0x8e: {  	[tilespmem:s21+$0xCC0] =	vst v1  }
0x8f: {  	[tilespmem:s21+$0xCD0] =	vst v1  }
0x90: {  	[tilespmem:s21+$0xCE0] =	vst v1  }
0x91: {  	[tilespmem:s21+$0xCF0] =	vst v1  }
0x92: {  	[tilespmem:s21+$0xD00] =	vst v1  }
0x93: {  	[tilespmem:s21+$0xD10] =	vst v1  }
0x94: {  	[tilespmem:s21+$0xD20] =	vst v1  }
0x95: {  	[tilespmem:s21+$0xD30] =	vst v1  }
0x96: {  	[tilespmem:s21+$0xD40] =	vst v1  }
0x97: {  	[tilespmem:s21+$0xD50] =	vst v1  }
0x98: {  	[tilespmem:s21+$0xD60] =	vst v1  }
0x99: {  	[tilespmem:s21+$0xD70] =	vst v1  }
0x9a: {  	[tilespmem:s21+$0xD80] =	vst v1  }
0x9b: {  	[tilespmem:s21+$0xD90] =	vst v1  }
0x9c: {  	[tilespmem:s21+$0xDA0] =	vst v1  }
0x9d: {  	[tilespmem:s21+$0xDB0] =	vst v1  }
0x9e: {  	[tilespmem:s21+$0xDC0] =	vst v1  }
0x9f: {  	[tilespmem:s21+$0xDD0] =	vst v1  }
0xa0: {  	[tilespmem:s21+$0xDE0] =	vst v1  }
.Ltmp1:
0xa1: {  	[tilespmem:s21+$0xDF0] =	vst v1;
	(pc) =	sbr.rel @p0 .LBB2_4-.Ltmp1, $4  }
0xa2: {  	[tilespmem:s21+$0xE00] =	vst v1  }
0xa3: {  	[tilespmem:s21+$0xE10] =	vst v1  }
0xa4: {  	[tilespmem:s21+$0xE20] =	vst v1  }
0xa5: {  	[tilespmem:s21+$0xE30] =	vst v1;
	s21 =	sshra.s32 s22, $0x2;
	s22 =	sadd.s32 $0xC00, s22  }
0xa6: {  	[tilespmem:s21+$0xE40] =	vst v1  }
0xa7: {  	[tilespmem:s21+$0xB50] =	vst v1  }
0xa8: {  	[tilespmem:s21+$0xB60] =	vst v1  }
0xa9: {  	[tilespmem:s21+$0xB70] =	vst v1  }
0xaa: {  	[tilespmem:s21+$0xB80] =	vst v1  }
0xab: {  	[tilespmem:s21+$0xB90] =	vst v1  }
0xac: {  	[tilespmem:s21+$0xBA0] =	vst v1  }
0xad: {  	[tilespmem:s21+$0xBB0] =	vst v1  }
0xae: {  	[tilespmem:s21+$0xBC0] =	vst v1  }
0xaf: {  	[tilespmem:s21+$0xBD0] =	vst v1  }
0xb0: {  	[tilespmem:s21+$0xBE0] =	vst v1  }
0xb1: {  	[tilespmem:s21+$0xBF0] =	vst v1  }
0xb2: {  	[tilespmem:s21+$0xC00] =	vst v1  }
0xb3: {  	[tilespmem:s21+$0xC10] =	vst v1  }
0xb4: {  	[tilespmem:s21+$0xC20] =	vst v1  }
0xb5: {  	[tilespmem:s21+$0xC30] =	vst v1  }
0xb6: {  	[tilespmem:s21+$0xC40] =	vst v1  }
0xb7: {  	[tilespmem:s21+$0xC50] =	vst v1  }
0xb8: {  	[tilespmem:s21+$0xC60] =	vst v1  }
0xb9: {  	[tilespmem:s21+$0xC70] =	vst v1  }
0xba: {  	[tilespmem:s21+$0xC80] =	vst v1  }
0xbb: {  	[tilespmem:s21+$0xC90] =	vst v1  }
0xbc: {  	[tilespmem:s21+$0xCA0] =	vst v1  }
0xbd: {  	[tilespmem:s21+$0xCB0] =	vst v1  }
0xbe: {  	[tilespmem:s21+$0xCC0] =	vst v1  }
0xbf: {  	[tilespmem:s21+$0xCD0] =	vst v1  }
0xc0: {  	[tilespmem:s21+$0xCE0] =	vst v1  }
0xc1: {  	[tilespmem:s21+$0xCF0] =	vst v1  }
0xc2: {  	[tilespmem:s21+$0xD00] =	vst v1  }
0xc3: {  	[tilespmem:s21+$0xD10] =	vst v1  }
0xc4: {  	[tilespmem:s21+$0xD20] =	vst v1  }
0xc5: {  	[tilespmem:s21+$0xD30] =	vst v1  }
0xc6: {  	[tilespmem:s21+$0xD40] =	vst v1  }
0xc7: {  	[tilespmem:s21+$0xD50] =	vst v1  }
0xc8: {  	[tilespmem:s21+$0xD60] =	vst v1  }
0xc9: {  	[tilespmem:s21+$0xD70] =	vst v1  }
0xca: {  	[tilespmem:s21+$0xD80] =	vst v1  }
0xcb: {  	[tilespmem:s21+$0xD90] =	vst v1  }
0xcc: {  	[tilespmem:s21+$0xDA0] =	vst v1  }
0xcd: {  	[tilespmem:s21+$0xDB0] =	vst v1  }
0xce: {  	[tilespmem:s21+$0xDC0] =	vst v1  }
0xcf: {  	[tilespmem:s21+$0xDD0] =	vst v1  }
0xd0: {  	[tilespmem:s21+$0xDE0] =	vst v1  }
0xd1: {  	[tilespmem:s21+$0xDF0] =	vst v1  }
0xd2: {  	[tilespmem:s21+$0xE00] =	vst v1  }
0xd3: {  	[tilespmem:s21+$0xE10] =	vst v1  }
0xd4: {  	[tilespmem:s21+$0xE20] =	vst v1  }
0xd5: {  	[tilespmem:s21+$0xE30] =	vst v1;
	s0 =	rddreg [dreg:$0x8]  }
0xd6: {  	[spmem:s0] =	stream.linear.scatter [tilespmem:s14], [sflag:$0x3], $0x6300, $0x38;
	[tilespmem:$0x1F1C0] =	vst v63  }
0xd7: {  	s26 =	simm.s32 $0x0;
	_ =	swait.ge [sflag:s12], $0x6300  }
0xd8: {  	s1 =	simm.s32 $0x20;
	s5 =	simm.s32 $0x30;
	[sflag:s12] =	ssyncset.done $0x0  }
0xd9: {  	s6 =	simm.s32 $0x10;
	v9 =	vor.u32 s1, v2;
	s7 =	sand.u32 $0xFFFE, s26;
	[sflag:s12] =	ssyncadd.s32 $0xFFFF9D00  }
0xda: {  	v10 =	vor.u32 s5, v2;
	v12 =	vor.u32 s26, v2;
	[tilespmem:s14], [sflag:$0x1] =	stream.indirect.gather [hbm4b:s4+s15], $0x300, s26, s15, $0xb8;
	[tilespmem:$0x1F1C0] =	vst v63  }
0xdb: {  	s9 =	simm.s32 $0x40;
	v13 =	vor.u32 s6, v2;
	v11 =	vmul.u32 $0x51F, v10;
	s8 =	sshrl.u32 s7, $0x1;
	v15 =	vmul.u32 $0x51F, v12  }
0xdc: {  	v14 =	vmul.u32 $0x51F, v9;
	v16 =	vmul.u32 $0x51F, v13;
	[tilespmem:s16], [sflag:$0x1] =	stream.indirect.gather [hbm4b:s4+s15], $0x300, s9, s15, $0xb8;
	[tilespmem:$0x1F1C0] =	vst v63  }
0xdd: {  	s0 =	smul.u32 $0x147B, s8;
	v11 =	vshrl.u32 v11, $0x10;
	v15 =	vshrl.u32 v15, $0x10;
	_ =	swait.ge [sflag:s17], $0xC000  }
0xde: {  	v16 =	vshrl.u32 v16, $0x10;
	v14 =	vshrl.u32 v14, $0x10;
	v17 =	vmul.u32 $0xFFFFFFCE, v15;
	[sflag:s17] =	ssyncset.done $0x0  }
0xdf: {  	v18 =	vmul.u32 $0xFFFFFFCE, v14;
	v19 =	vmul.u32 $0xFFFFFFCE, v16;
	v20 =	vmul.u32 $0xFFFFFFCE, v11;
	s0 =	sshrl.u32 s0, $0x11;
	[sflag:s17] =	ssyncadd.s32 $0xFFFF4000  }
0xe0: {  	vm1 =	vgt.u32 v15, s0;
	vm2 =	vgt.u32 v16, s0;
	vm3 =	vgt.u32 v14, s0;
	s10 =	sld [smem:s0+$0x1]  }
0xe1: {  	s11 =	sadd.s32 $0x1, s0;
	vm8 =	vgt.u32 v11, s0;
	v12 =	vadd.s32 v12, v17;
	v9 =	vadd.s32 v9, v18;
	s6 =	sld [smem:s0+$0x2]  }
0xe2: {  	v13 =	vadd.s32 v13, v19;
	v10 =	vadd.s32 v10, v20;
	vm4 =	vgt.u32 v15, s11;
	s7 =	sld [smem:s0+$0x0]  }
0xe3: {  	vm5 =	vgt.u32 v16, s11;
	vm6 =	vgt.u32 v11, s11;
	v17 =	vmov s10  }
0xe4: {  	vm7 =	vgt.u32 v14, s11;
	v18 =	vsel vm4, s6, v17;
	v19 =	vsel vm6, s6, v17  }
0xe5: {  	v63 =	vsel vm5, s6, v17;
	v18 =	vnsel vm1, s7, v18;
	v19 =	vnsel vm8, s7, v19  }
0xe6: {  	v20 =	vnsel vm2, s7, v63;
	vm1 =	vlt.s32 v12, v18;
	vm2 =	vlt.s32 v10, v19  }
0xe7: {  	s22 =	rddreg [dreg:$0xc];
	vm4 =	vlt.s32 v13, v20;
	v10 =	vnsel vm2, $0x20, v11;
	v11 =	vsel vm7, s6, v17  }
0xe8: {  	[hbm4b:s22+s3] =	stream.linear.scatter [tilespmem:s14], [sflag:$0x2], $0xC000, $0x38;
	v12 =	vnsel vm1, $0x20, v15;
	v10 =	vadd.s32 v0, v10;
	v11 =	vnsel vm3, s7, v11;
	[tilespmem:$0x1F1C0] =	vst v63  }
0xe9: {  	v13 =	vnsel vm4, $0x20, v16;
	v12 =	vadd.s32 v0, v12;
	[tilespmem:$0x1F170] =	vst v10;
	vm1 =	vlt.s32 v9, v11  }
0xea: {  	[tilespmem:$0x1F140] =	vst v12;
	v9 =	vadd.s32 v0, v13;
	v10 =	vnsel vm1, $0x20, v14  }
0xeb: {  	[tilespmem:$0x1F150] =	vst v9;
	v9 =	vadd.s32 v0, v10  }
0xec: {  	s13 =	simm.s32 $0x40;
	[tilespmem:$0x1F160] =	vst v9  }
0xed: {  	[spmem:s2] =	stream.indirect.scatter.add.f32 [tilespmem:s14], [sflag:$0x3], $0x300, s18, s15, $0xb8;
	[tilespmem:$0x1F1C0] =	vst v63  }
0xee: {  	s24 =	simm.s32 $0x50;
	s21 =	sand.u32 $0xFFFE, s13;
	_ =	swait.ge [sflag:s12], $0xC000  }
0xef: {  	s23 =	simm.s32 $0x60;
	s1 =	sshrl.u32 s21, $0x1;
	v11 =	vor.u32 s24, v2;
	[sflag:s12] =	ssyncset.done $0x0  }
0xf0: {  	s25 =	smul.u32 $0x147B, s1;
	v16 =	vor.u32 s13, v2;
	v13 =	vor.u32 s23, v2;
	v14 =	vmul.u32 $0x51F, v11;
	[sflag:s12] =	ssyncadd.s32 $0xFFFF4000  }
0xf1: {  	s26 =	simm.s32 $0x70;
	v10 =	vmul.u32 $0x51F, v13;
	v9 =	vmul.u32 $0x51F, v16;
	_ =	swait.ge [sflag:s17], $0xC000  }
0xf2: {  	v15 =	vor.u32 s26, v2;
	s26 =	sshrl.u32 s25, $0x11;
	v14 =	vshrl.u32 v14, $0x10;
	[sflag:s17] =	ssyncset.done $0x0  }
0xf3: {  	s30 =	sadd.s32 $0x1, s26;
	v12 =	vshrl.u32 v10, $0x10;
	v10 =	vmul.u32 $0x51F, v15;
	v9 =	vshrl.u32 v9, $0x10;
	[sflag:s17] =	ssyncadd.s32 $0xFFFF4000  }
0xf4: {  	s0 =	smin.u32 s26, $0x1D;
	vm4 =	vgt.u32 v14, s30;
	vm1 =	vgt.u32 v12, s26;
	v17 =	vmul.u32 $0xFFFFFFCE, v9;
	s31 =	sld [smem:s26+$0x1]  }
0xf5: {  	s21 =	simm.s32 $0x80;
	s25 =	smov.u32 s22;
	vm2 =	vgt.u32 v9, s26;
	vm5 =	vgt.u32 v9, s30;
	v10 =	vshrl.u32 v10, $0x10;
	s29 =	sld [smem:s0+$0x2]  }
0xf6: {  	s23 =	simm.s32 $0x80;
	s24 =	simm.s32 $0x80;
	vm3 =	vgt.u32 v10, s26;
	v16 =	vadd.s32 v16, v17;
	v17 =	vmul.u32 $0xFFFFFFCE, v12;
	s28 =	sld [smem:s26+$0x0]  }
.LBB2_6:
0xf7: {  	vm6 =	vgt.u32 v12, s30;
	v19 =	vmul.u32 $0xFFFFFFCE, v10;
	v21 =	vmul.u32 $0xFFFFFFCE, v14  }
0xf8: {  	vm7 =	vgt.u32 v10, s30;
	v13 =	vadd.s32 v13, v17;
	v18 =	vmov s31  }
0xf9: {  	v11 =	vadd.s32 v11, v21;
	v15 =	vadd.s32 v15, v19;
	v20 =	vsel vm5, s29, v18  }
0xfa: {  	vm5 =	vgt.u32 v14, s26;
	v17 =	vsel vm6, s29, v18;
	v22 =	vsel vm4, s29, v18  }
0xfb: {  	v18 =	vsel vm7, s29, v18;
	v20 =	vnsel vm2, s28, v20;
	v17 =	vnsel vm1, s28, v17  }
0xfc: {  	v19 =	vnsel vm5, s28, v22;
	vm1 =	vlt.s32 v13, v17;
	v13 =	vnsel vm3, s28, v18  }
0xfd: {  	s0 =	sadd.s32 $0x1800, s22;
	vm2 =	vlt.s32 v16, v20;
	vm3 =	vlt.s32 v11, v19;
	v11 =	vnsel vm1, $0x20, v12  }
0xfe: {  	[hbm4b:s0+s3] =	stream.linear.scatter [tilespmem:s16], [sflag:$0x2], $0xC000, $0x38;
	v9 =	vnsel vm2, $0x20, v9;
	v11 =	vadd.s32 v0, v11;
	[tilespmem:$0x1F1C0] =	vst v63  }
0xff: {  	v12 =	vnsel vm3, $0x20, v14;
	vm1 =	vlt.s32 v15, v13;
	v9 =	vadd.s32 v0, v9;
	[tilespmem:$0x1F1A0] =	vst v11  }
0x100: {  	v12 =	vadd.s32 v0, v12;
	[tilespmem:$0x1F180] =	vst v9;
	v9 =	vnsel vm1, $0x20, v10  }
0x101: {  	[tilespmem:$0x1F190] =	vst v12;
	v9 =	vadd.s32 v0, v9  }
0x102: {  	s5 =	rddreg [dreg:$0x5];
	[tilespmem:$0x1F1B0] =	vst v9  }
0x103: {  	[spmem:s2] =	stream.indirect.scatter.add.f32 [tilespmem:s16], [sflag:$0x3], $0x300, s5, s15, $0xb8;
	[tilespmem:$0x1F1C0] =	vst v63  }
0x104: {  	_ =	swait.ge [sflag:s12], $0xC000  }
0x105: {  	[sflag:s12] =	ssyncset.done $0x0  }
0x106: {  	[sflag:s12] =	ssyncadd.s32 $0xFFFF4000  }
0x107: {  	s26 =	smov.u32 s24;
	_ =	swait.ge [sflag:s19], $0xC000  }
0x108: {  	s6 =	sand.u32 $0xFFFE, s26;
	[sflag:s19] =	ssyncset.done $0x0  }
0x109: {  	s1 =	sadd.s32 $0x30, s26;
	s10 =	sshrl.u32 s6, $0x1;
	[sflag:s19] =	ssyncadd.s32 $0xFFFF4000  }
0x10a: {  	[tilespmem:s14], [sflag:$0x1] =	stream.indirect.gather [hbm4b:s4+s15], $0x300, s21, s15, $0xb8;
	[tilespmem:$0x1F1C0] =	vst v63  }
0x10b: {  	s8 =	sadd.s32 $0x20, s26;
	v13 =	vor.u32 s1, v2;
	s11 =	smul.u32 $0x147B, s10;
	_ =	swait.ge [sflag:s19], $0xC000  }
0x10c: {  	s23 =	sadd.s32 $0x80, s23;
	s9 =	sadd.s32 $0x10, s26;
	v14 =	vmul.u32 $0x51F, v13;
	v11 =	vor.u32 s8, v2;
	[sflag:s19] =	ssyncset.done $0x0  }
0x10d: {  	s13 =	sadd.s32 $0xFFFFFFC0, s23;
	v12 =	vor.u32 s9, v2;
	s0 =	sshrl.u32 s11, $0x11;
	v10 =	vmul.u32 $0x51F, v11;
	v9 =	vor.u32 s26, v2;
	[sflag:s19] =	ssyncadd.s32 $0xFFFF4000  }
0x10e: {  	v16 =	vmul.u32 $0x51F, v12;
	v14 =	vshrl.u32 v14, $0x10;
	v15 =	vmul.u32 $0x51F, v9;
	[tilespmem:s16], [sflag:$0x1] =	stream.indirect.gather [hbm4b:s4+s15], $0x300, s13, s15, $0xb8;
	[tilespmem:$0x1F1C0] =	vst v63  }
0x10f: {  	v19 =	vmul.u32 $0xFFFFFFCE, v14;
	vm8 =	vgt.u32 v14, s0;
	_ =	swait.ge [sflag:s17], $0xC000  }
0x110: {  	v16 =	vshrl.u32 v16, $0x10;
	v10 =	vshrl.u32 v10, $0x10;
	v15 =	vshrl.u32 v15, $0x10;
	[sflag:s17] =	ssyncset.done $0x0  }
0x111: {  	s5 =	sadd.s32 $0x1, s0;
	v18 =	vmul.u32 $0xFFFFFFCE, v16;
	v13 =	vadd.s32 v13, v19;
	v17 =	vmul.u32 $0xFFFFFFCE, v15;
	[sflag:s17] =	ssyncadd.s32 $0xFFFF4000  }
0x112: {  	vm3 =	vgt.u32 v16, s0;
	vm1 =	vgt.u32 v10, s0;
	vm5 =	vgt.u32 v16, s5;
	s6 =	sld [smem:s0+$0x1]  }
0x113: {  	vm6 =	vgt.u32 v14, s5;
	v9 =	vadd.s32 v9, v17;
	v17 =	vmul.u32 $0xFFFFFFCE, v10;
	s7 =	sld [smem:s0+$0x2]  }
0x114: {  	vm7 =	vgt.u32 v10, s5;
	v12 =	vadd.s32 v12, v18;
	vm2 =	vgt.u32 v15, s0;
	s0 =	sld [smem:s0+$0x0]  }
0x115: {  	vm4 =	vgt.u32 v15, s5;
	v11 =	vadd.s32 v11, v17;
	v17 =	vmov s6  }
0x116: {  	v18 =	vsel vm4, s7, v17;
	v19 =	vsel vm5, s7, v17;
	v63 =	vsel vm6, s7, v17  }
0x117: {  	v18 =	vnsel vm2, s0, v18;
	v19 =	vnsel vm3, s0, v19;
	v20 =	vnsel vm8, s0, v63  }
0x118: {  	vm2 =	vlt.s32 v9, v18;
	vm3 =	vlt.s32 v12, v19;
	vm4 =	vlt.s32 v13, v20  }
0x119: {  	s25 =	sadd.s32 $0x3000, s25;
	v9 =	vnsel vm2, $0x20, v15;
	v13 =	vnsel vm4, $0x20, v14;
	v14 =	vsel vm7, s7, v17  }
0x11a: {  	[hbm4b:s25+s3] =	stream.linear.scatter [tilespmem:s14], [sflag:$0x2], $0xC000, $0x38;
	v12 =	vnsel vm3, $0x20, v16;
	v9 =	vadd.s32 v0, v9;
	v14 =	vnsel vm1, s0, v14;
	[tilespmem:$0x1F1C0] =	vst v63  }
0x11b: {  	[tilespmem:$0x1F140] =	vst v9;
	v9 =	vadd.s32 v0, v12;
	vm1 =	vlt.s32 v11, v14  }
0x11c: {  	v13 =	vadd.s32 v0, v13;
	[tilespmem:$0x1F150] =	vst v9;
	v9 =	vnsel vm1, $0x20, v10  }
0x11d: {  	[tilespmem:$0x1F170] =	vst v13;
	v9 =	vadd.s32 v0, v9  }
0x11e: {  	s8 =	sadd.s32 $0x40, s26;
	[tilespmem:$0x1F160] =	vst v9  }
0x11f: {  	[spmem:s2] =	stream.indirect.scatter.add.f32 [tilespmem:s14], [sflag:$0x3], $0x300, s18, s15, $0xb8;
	[tilespmem:$0x1F1C0] =	vst v63  }
0x120: {  	s10 =	sadd.s32 $0x60, s26;
	s9 =	sand.u32 $0xFFFE, s8;
	_ =	swait.ge [sflag:s12], $0xC000  }
0x121: {  	s11 =	sadd.s32 $0x50, s26;
	s1 =	sshrl.u32 s9, $0x1;
	v13 =	vor.u32 s10, v2;
	[sflag:s12] =	ssyncset.done $0x0  }
0x122: {  	s13 =	smul.u32 $0x147B, s1;
	v16 =	vor.u32 s8, v2;
	v11 =	vor.u32 s11, v2;
	v10 =	vmul.u32 $0x51F, v13;
	[sflag:s12] =	ssyncadd.s32 $0xFFFF4000  }
0x123: {  	p0 =	sne.s32 s24, $0x580;
	s26 =	sadd.s32 $0x70, s26;
	v14 =	vmul.u32 $0x51F, v11;
	v9 =	vmul.u32 $0x51F, v16;
	_ =	swait.ge [sflag:s17], $0xC000  }
.Ltmp2:
0x124: {  	v15 =	vor.u32 s26, v2;
	s26 =	sshrl.u32 s13, $0x11;
	v12 =	vshrl.u32 v10, $0x10;
	[sflag:s17] =	ssyncset.done $0x0;
	(pc) =	sbr.rel @p0 .LBB2_6-.Ltmp2, $4  }
0x125: {  	s30 =	sadd.s32 $0x1, s26;
	v10 =	vmul.u32 $0x51F, v15;
	v14 =	vshrl.u32 v14, $0x10;
	v9 =	vshrl.u32 v9, $0x10;
	[sflag:s17] =	ssyncadd.s32 $0xFFFF4000  }
0x126: {  	s0 =	smin.u32 s26, $0x1D;
	vm1 =	vgt.u32 v12, s26;
	vm4 =	vgt.u32 v14, s30;
	v17 =	vmul.u32 $0xFFFFFFCE, v9;
	s31 =	sld [smem:s26+$0x1]  }
0x127: {  	s22 =	smov.u32 s25;
	v10 =	vshrl.u32 v10, $0x10;
	vm2 =	vgt.u32 v9, s26;
	vm5 =	vgt.u32 v9, s30;
	s29 =	sld [smem:s0+$0x2]  }
0x128: {  	s24 =	sadd.s32 $0x80, s24;
	s21 =	smov.u32 s23;
	vm3 =	vgt.u32 v10, s26;
	v16 =	vadd.s32 v16, v17;
	v17 =	vmul.u32 $0xFFFFFFCE, v12;
	s28 =	sld [smem:s26+$0x0]  }
0x129: {  	v18 =	vmov s31;
	vm6 =	vgt.u32 v12, s30  }
0x12a: {  	v19 =	vmul.u32 $0xFFFFFFCE, v10;
	vm15 =	vgt.u32 v14, s26;
	vm7 =	vgt.u32 v10, s30  }
0x12b: {  	v21 =	vmul.u32 $0xFFFFFFCE, v14;
	v20 =	vsel vm5, s29, v18;
	v13 =	vadd.s32 v13, v17  }
0x12c: {  	v59 =	vsel vm6, s29, v18;
	v22 =	vsel vm4, s29, v18;
	v18 =	vsel vm7, s29, v18  }
0x12d: {  	v20 =	vnsel vm2, s28, v20;
	v11 =	vadd.s32 v11, v21;
	v17 =	vnsel vm1, s28, v59  }
0x12e: {  	v15 =	vadd.s32 v15, v19;
	v60 =	vnsel vm15, s28, v22;
	vm1 =	vlt.s32 v13, v17  }
0x12f: {  	s0 =	sadd.s32 $0x1800, s22;
	v61 =	vnsel vm3, s28, v18;
	vm2 =	vlt.s32 v16, v20;
	v62 =	vnsel vm1, $0x20, v12  }
0x130: {  	[hbm4b:s0+s3] =	stream.linear.scatter [tilespmem:s16], [sflag:$0x2], $0xC000, $0x38;
	vm1 =	vlt.s32 v11, v60;
	v9 =	vnsel vm2, $0x20, v9;
	v11 =	vadd.s32 v0, v62;
	[tilespmem:$0x1F1C0] =	vst v63  }
0x131: {  	v63 =	vnsel vm1, $0x20, v14;
	v9 =	vadd.s32 v0, v9;
	vm1 =	vlt.s32 v15, v61;
	[tilespmem:$0x1F1A0] =	vst v11  }
0x132: {  	v11 =	vadd.s32 v0, v63;
	[tilespmem:$0x1F180] =	vst v9;
	v9 =	vnsel vm1, $0x20, v10  }
0x133: {  	[tilespmem:$0x1F190] =	vst v11;
	v9 =	vadd.s32 v0, v9  }
0x134: {  	s25 =	rddreg [dreg:$0x5];
	[tilespmem:$0x1F1B0] =	vst v9  }
0x135: {  	[spmem:s2] =	stream.indirect.scatter.add.f32 [tilespmem:s16], [sflag:$0x3], $0x300, s25, s15, $0xb8;
	[tilespmem:$0x1F1C0] =	vst v63  }
0x136: {  	_ =	swait.ge [sflag:s12], $0xC000  }
0x137: {  	[sflag:s12] =	ssyncset.done $0x0  }
0x138: {  	[sflag:s12] =	ssyncadd.s32 $0xFFFF4000  }
0x139: {  	_ =	swait.ge [sflag:s19], $0xC000  }
0x13a: {  	[sflag:s19] =	ssyncset.done $0x0  }
0x13b: {  	[sflag:s19] =	ssyncadd.s32 $0xFFFF4000  }
0x13c: {  	[tilespmem:s14], [sflag:$0x1] =	stream.indirect.gather [hbm4b:s4+s15], $0x300, s21, s15, $0xb8;
	[tilespmem:$0x1F1C0] =	vst v63  }
0x13d: {  	_ =	swait.ge [sflag:s19], $0xC000  }
0x13e: {  	[sflag:s19] =	ssyncset.done $0x0  }
0x13f: {  	[sflag:s19] =	ssyncadd.s32 $0xFFFF4000  }
0x140: {  	_ =	swait.ge [sflag:s17], $0xC000  }
0x141: {  	[sflag:s17] =	ssyncset.done $0x0  }
0x142: {  	[sflag:s17] =	ssyncadd.s32 $0xFFFF4000  }
0x143: {  	s26 =	sld [smem:$0x1F]  }
0x144: {  	s1 =	sld [smem:$0x1E];
	_ =	sdelay $0x1  }
0x145: {  	v9 =	vmov s26  }
0x146: {  	v10 =	vsel vm0, s1, v9  }
0x147: {  	vm1 =	vgt.s32 v10, v3  }
0x148: {  	s28 =	rddreg [dreg:$0x9];
	v10 =	vnsel vm1, $0x20, v4;
	vm1 =	vgt.s32 v9, v6  }
0x149: {  	[hbm4b:s28+s3] =	stream.linear.scatter [tilespmem:s14], [sflag:$0x2], $0xC000, $0x38;
	v10 =	vadd.s32 v0, v10;
	v11 =	vsel vm1, $0x1F, v5;
	vm1 =	vgt.s32 v9, v7;
	[tilespmem:$0x1F1C0] =	vst v63  }
0x14a: {  	[tilespmem:$0x1F140] =	vst v10;
	v10 =	vadd.s32 v0, v11;
	v11 =	vsel vm1, $0x1F, v5;
	vm1 =	vgt.s32 v9, v8  }
0x14b: {  	[tilespmem:$0x1F150] =	vst v10;
	v9 =	vadd.s32 v0, v11;
	v10 =	vsel vm1, $0x1F, v5  }
0x14c: {  	[tilespmem:$0x1F160] =	vst v9;
	v9 =	vadd.s32 v0, v10  }
0x14d: {  	[tilespmem:$0x1F170] =	vst v9  }
0x14e: {  	[spmem:s2] =	stream.indirect.scatter.add.f32 [tilespmem:s14], [sflag:$0x3], $0x300, s18, s15, $0xb8;
	[tilespmem:$0x1F1C0] =	vst v63  }
0x14f: {  	_ =	swait.ge [sflag:s12], $0xC000  }
0x150: {  	[sflag:s12] =	ssyncset.done $0x0  }
0x151: {  	s29 =	stileid.u32;
	[sflag:s12] =	ssyncadd.s32 $0xFFFF4000  }
0x152: {  	s0 =	sshll.u32 s29, $0x6;
	_ =	swait.ge [sflag:s19], $0xC000  }
0x153: {  	s0 =	sor.u32 $0x1C03, s0;
	[sflag:s19] =	ssyncset.done $0x0;
	s30 =	rddreg [dreg:$0x8]  }
0x154: {  	s5 =	rddreg [dreg:$0xa];
	[sflag:s19] =	ssyncadd.s32 $0xFFFF4000;
	s1 =	sshrl.u32 s30, $0x3  }
0x155: {  	[hbm:s5], [sflag:s0] =	dma.local [spmem:s1], $0xC00  }
0x156: {  	_ =	swait.ge [sflag:s12], $0xC00  }
0x157: {  	s20 =	sadd.s32 $0x1, s20;
	s31 =	rddreg [dreg:$0xb]  }
0x158: {  	p0 =	sne.s32 s20, s31  }
.Ltmp3:
0x159: {  	_ = 	snop;
	(pc) =	sbr.rel @p0 .LBB2_1-.Ltmp3, $3  }
0x15a: {  	_ =	sdelay $0x1  }
0x15b: {  	[sflag:s12] =	ssyncset.done $0x0  }
0x15c: {  	[sflag:s12] =	ssyncadd.s32 $0xFFFFF400  }
0x15d: {  	_ =	sfence.sel $0x180000  }
0x15e: {  	[bflag:$0x0] =	sbarrier.arrive $0xFFFF  }
0x15f: {  	_ =	strace $0x90000047  }
0x160: {  	s0 =	stileid.u32;
	[bflag:$0x2] =	sbarrier.arrive $0xFFFF  }
0x161: {  	p0 =	sne.s32 s0, $0x0;
	s0 =	rddreg [dreg:$0x4]  }
0x162: {  	s0 =	sadd.s32 @!p0 $0x100000, s0  }
0x163: {  	[sflag:s0] =	ssyncadd.tile.s32 @!p0 $0x1;
	_ =	shalt  }
.Lfunc_end2:
_tile_overlayer_lowered:
.L_overlay_start_2:
0x164: {  	(tag) =	ssettag $0x2  }
0x165: {  	s0 =	rddreg [dreg:$0x0];
	s2 =	stileid.u32  }
0x166: {  	s1 =	rddreg [dreg:$0x1];
	p0 =	sne.s32 s2, $0x0  }
0x167: {  	s3 =	rddreg [dreg:$0x2];
	[bflag:$0x3] =	sbarrier.arrive $0xFFFF;
	s2 =	simm.s32 @!p0 $0x1C03  }
0x168: {  	[timem:s3], [sflag:s2] =	dma.local @!p0 [hbm:s0], s1  }
0x169: {  	s0 =	simm.s32 @!p0 $0x3  }
0x16a: {  	_ =	swait.ge @!p0 [sflag:s0], s1  }
0x16b: {  	s1 =	ssub.s32 @!p0 $0x0, s1;
	[sflag:s0] =	ssyncset.done @!p0 $0x0  }
0x16c: {  	[sflag:s0] =	ssyncadd.s32 @!p0 s1  }
0x16d: {  	[bflag:$0x3] =	sbarrier.arrive $0xFFFF  }
0x16e: {  	_ =	shalt  }

// kernel: sparse-core-data-format-call.cloned.1.call-start
scs
called_computation_lowered:
.L_overlay_start_0:
0x0: {  	s2 =	sld [smem:$0x3FD9]  }
0x1: {  	s3 =	sld [smem:$0x3FFE];
	_ =	sdelay $0x1  }
0x2: {  	s1 =	srdreg.scid  }
0x3: {  	s0 =	sand.u32 $0x1, s1  }
0x4: {  	s15 =	sshll.u32 s0, $0xA;
	s2 =	sadd.s32 s3, s2  }
0x5: {  	s2 =	sadd.s32 s2, s15  }
0x6: {  	[smem:$0x3FC5] =	sst s2  }
0x7: {  	_ = 	snop  }
0x8: {  	s2 =	sld [smem:$0x3FD0];
	_ =	sdelay $0x2  }
0x9: {  	s16 =	simm.s32 $0xA;
	s4 =	simm.s32 $0x10  }
0xa: {  	[smem:s4], [sflag:s16] =	dma.local [hbm:s2], $0x1  }
0xb: {  	_ =	swait.eq [sflag:s16], $0x1  }
0xc: {  	[sflag:s16] =	ssyncset.done $0x0  }
0xd: {  	[sflag:s16] =	ssyncadd.s32 $0xFFFFFFFF  }
0xe: {  	s17 =	sld [smem:$0x10];
	(tm) =	ssettm $0x1  }
0xf: {  	s18 =	sld [smem:$0x3FFB];
	_ =	sdelay $0x3  }
0x10: {  	_ =	strace s18  }
0x11: {  	s3 =	sld [smem:$0x3FFC];
	_ =	sdelay $0x3  }
0x12: {  	_ =	strace s3  }
0x13: {  	s3 =	sld [smem:$0x3FFD];
	_ =	sdelay $0x3  }
0x14: {  	_ =	strace s3  }
0x15: {  	_ =	strace $0x8FFFFFFF  }
0x16: {  	s19 =	sld [smem:$0x3FDB];
	_ =	sdelay $0x1  }
0x17: {  	s20 =	simm.s32 $_scs_section_size  }
0x18: {  	s5 =	simm.s32 $_size__tile_overlayer_lowered;
	s6 =	simm.s32 $_tile_overlayer_lowered  }
0x19: {  	s23 =	simm.s32 $0x1BFF;
	s22 =	sshll.u32 s6, $0x1;
	s3 =	sadd.s32 s20, s19  }
0x1a: {  	s7 =	simm.s32 $0x0;
	s21 =	sshll.u32 s5, $0x1;
	s5 =	sadd.s32 s22, s3  }
0x1b: {  	[timem:s7], [sflag:s23] =	dma.local [hbm:s5], s21  }
0x1c: {  	_ =	swait.ge [sflag:s23], s21  }
0x1d: {  	s4 =	ssub.s32 $0x0, s21;
	[sflag:s23] =	ssyncset.done $0x0  }
0x1e: {  	[sflag:s23] =	ssyncadd.s32 s4;
	_ =	sdelay $0x1  }
0x1f: {  	s24 =	simm.s32 $0x1B8B  }
0x20: {  	_ =	swait.ge [sflag:s24], $0x1  }
0x21: {  	[sflag:s24] =	ssyncset.done $0x0  }
0x22: {  	s26 =	simm.s32 $0x1B8E;
	s25 =	sld [smem:$0x3FFE];
	[sflag:s24] =	ssyncadd.s32 $0xFFFFFFFF  }
0x23: {  	s27 =	simm.s32 $execute0_lowered;
	[smem:$0x3FD2] =	sst s26  }
0x24: {  	s5 =	sshll.u32 s27, $0x1;
	_ =	strace $0x80000049;
	[dreg:$0x1] =	wrdreg $0xFFFFFFFF  }
0x25: {  	s28 =	simm.s32 $_size_execute0_lowered;
	s3 =	sadd.s32 s3, s5;
	[dreg:$0x0] =	wrdreg $0x0  }
0x26: {  	s5 =	sshll.u32 s28, $0x1;
	[dreg:$0x2] =	wrdreg s3  }
0x27: {  	[dreg:$0x3] =	wrdreg s5  }
0x28: {  	[dreg:$0x4] =	wrdreg $0xC0  }
0x29: {  	_ =	task [dreg:s7], $0x5FFFF  }
0x2a: {  	[dreg:$0x1] =	wrdreg $0xFFFFFFFF  }
0x2b: {  	[dreg:$0x0] =	wrdreg $0x60  }
0x2c: {  	[dreg:$0x2] =	wrdreg s25  }
0x2d: {  	[dreg:$0x3] =	wrdreg s17  }
0x2e: {  	[dreg:$0x4] =	wrdreg $0x9  }
0x2f: {  	_ =	task.clear_ibuf [dreg:s7], $0x5FFFF;
	_ =	strace $0x90000049  }
0x30: {  	s29 =	simm.s32 $0x9;
	_ =	strace $0x8000004B  }
0x31: {  	_ =	swait.ge [sflag:s29], $0x1  }
0x32: {  	[sflag:s29] =	ssyncadd.s32 $0xFFFFFFFF  }
0x33: {  	_ =	strace $0x9000004B  }
0x34: {  	_ =	sfence  }
0x35: {  	s30 =	sld [smem:$0x0];
	_ =	sdelay $0x2  }
0x36: {  	s31 =	sshll.u32 s1, $0xD;
	s1 =	sshrl.u32 s1, $0x2  }
0x37: {  	s3 =	sand.u32 $0x4000, s31;
	s1 =	sadd.s32 s1, s30  }
0x38: {  	s0 =	sor.u32 s3, s0;
	s1 =	sshll.u32 s1, $0x11  }
0x39: {  	s0 =	sor.u32 s1, s0  }
0x3a: {  	s0 =	sadd.s32 $0x8F2B, s0  }
0x3b: {  	[sflag:s0] =	ssyncadd.remote.s32 $0x1  }
0x3c: {  	_ =	sfence.sel $0xFFFF  }
0x3d: {  	[dreg:$0x0] =	wrdreg $0xFFFFFFFF;
	(pc) =	sbr.abs _section_cstart, $3  }
0x3e: {  	[dreg:$0x1] =	wrdreg $0xFFFFFFFF  }
0x3f: {  	_ =	task.clear_ibuf [dreg:s7], $0x2FFFF;
	_ =	strace $0x9FFFFFFF  }
0x40: {  	(tm) =	ssettm $0x7FFFFFFF  }
0x41: {  	_ =	shalt  }
tec
execute0_lowered:
.L_overlay_start_1:
0x0: {  	(tag) =	ssettag $0x1  }
0x1: {  	s0 =	stileid.u32  }
0x2: {  	s1 =	srdreg.scid;
	s2 =	sshll.u32 s0, $0x7  }
0x3: {  	s7 =	rddreg [dreg:$0x0];
	s3 =	sshll.u32 s1, $0x4;
	s1 =	sand.u32 $0x380, s2  }
0x4: {  	s8 =	simm.s32 $0x2;
	s30 =	sand.u32 $0x10, s3;
	s31 =	ssub.s32 $0x400, s1  }
0x5: {  	s16 =	simm.s32 $0x0;
	s2 =	sor.u32 s0, s30;
	s4 =	sand.u32 $0x380, s31  }
0x6: {  	s2 =	sshrl.u32 s2, $0x3;
	p0 =	sne.s32 s4, $0x0;
	s4 =	simm.s32 $0x1  }
0x7: {  	s3 =	sshrl.u32 s31, $0xA;
	s5 =	ssub.s32 $0x35, s2;
	s4 =	simm.s32 @!p0 $0x0  }
0x8: {  	s9 =	simm.s32 $0x1800;
	s5 =	sshrl.u32 s5, $0x2;
	s3 =	sadd.s32 s4, s3  }
0x9: {  	s10 =	simm.s32 $0x0;
	s15 =	simm.s32 $0x0;
	s6 =	smul.u32 s3, s5  }
.Ltmp0:
0xa: {  	s17 =	simm.s32 $0x0;
	s4 =	rddreg [dreg:$0x1];
	(pc) =	sbr.rel .LBB1_1-.Ltmp0, $4  }
0xb: {  	s11 =	simm.s32 $0x0;
	s14 =	simm.s32 $0x0;
	s3 =	rddreg [dreg:$0x2]  }
0xc: {  	_ =	strace $0x8000004A;
	s5 =	simm.s32 $0x1;
	s6 =	smul.u32 $0x6, s6  }
0xd: {  	s7 =	sadd.s32 $0xA00, s7;
	s13 =	smov.u32 s1;
	[sflag:s5] =	ssyncpa.u1 $0x0  }
0xe: {  	s12 =	smov.u32 s2;
	[sflag:s8] =	ssyncpa.u1 $0x0;
	s8 =	sor.u32 $0x1, s6  }
.LBB1_4:
0xf: {  	_ =	sdelay $0x2  }
0x10: {  	s21 =	sshrl.u32 s17, $0x3  }
0x11: {  	[tilespmem:v0+s20+$0xFFFFFFD0 ss:$0x1] =	vst.idx.msk $0xffff, v7;
	s22 =	sshll.u32 s16, $0x3;
	s21 =	smul.u32 $0x1800, s21  }
0x12: {  	v56 =	vld.idx.msk [tilespmem:v1+s19+$0x0 ss:$0x1], $0xffff;
	[tilespmem:v0+s20+$0xFFFFFFE0 ss:$0x1] =	vst.idx.msk $0xffff, v5;
	s27 =	sshll.u32 s17, $0x7;
	s22 =	sand.u32 $0xFFFFFC00, s22  }
0x13: {  	v57 =	vld.idx.msk [tilespmem:v1+s19+$0xFFFFFF90 ss:$0x1], $0xffff;
	[tilespmem:v0+s20+$0xFFFFFFF0 ss:$0x1] =	vst.idx.msk $0xffff, v4;
	s17 =	sand.u32 $0x380, s27;
	s21 =	sadd.s32 s21, s22  }
0x14: {  	v58 =	vld.idx.msk [tilespmem:v1+s19+$0xFFFFFFA0 ss:$0x1], $0xffff;
	[tilespmem:v0+s20+$0x0 ss:$0x1] =	vst.idx.msk $0xffff, v2;
	s28 =	sand.u32 $0x7F, s16;
	s17 =	sor.u32 s17, s21  }
0x15: {  	v59 =	vld.idx.msk [tilespmem:v1+s19+$0xFFFFFFB0 ss:$0x1], $0xffff;
	[tilespmem:v0+s20+$0x10 ss:$0x1] =	vst.idx.msk $0xffff, v3;
	s16 =	sor.u32 s28, s17  }
0x16: {  	v60 =	vld.idx.msk [tilespmem:v1+s19+$0xFFFFFFC0 ss:$0x1], $0xffff;
	[tilespmem:v0+s20+$0x20 ss:$0x1] =	vst.idx.msk $0xffff, v6;
	s29 =	smulhi.u32 $0xAAAAAAAB, s16  }
0x17: {  	v61 =	vld.idx.msk [tilespmem:v1+s19+$0xFFFFFFD0 ss:$0x1], $0xffff;
	[tilespmem:v0+s19+$0x30 ss:$0x1] =	vst.idx.msk $0xffff, v56;
	s17 =	smulhi.u32 $0xAAAAAAAB, s17  }
0x18: {  	v62 =	vld.idx.msk [tilespmem:v1+s19+$0xFFFFFFE0 ss:$0x1], $0xffff;
	[tilespmem:v0+s19+$0xFFFFFFC0 ss:$0x1] =	vst.idx.msk $0xffff, v57;
	s20 =	sshrl.u32 s29, $0x9  }
0x19: {  	v63 =	vld.idx.msk [tilespmem:v1+s19+$0xFFFFFFF0 ss:$0x1], $0xffff;
	[tilespmem:v0+s19+$0xFFFFFFD0 ss:$0x1] =	vst.idx.msk $0xffff, v58;
	s17 =	sshrl.u32 s17, $0x9;
	s20 =	smul.u32 $0x300, s20  }
0x1a: {  	s15 =	smul.u32 $0x18000, s15;
	[tilespmem:v0+s19+$0xFFFFFFE0 ss:$0x1] =	vst.idx.msk $0xffff, v59;
	s17 =	sand.u32 $0x3FF, s17  }
0x1b: {  	[tilespmem:v0+s19+$0xFFFFFFF0 ss:$0x1] =	vst.idx.msk $0xffff, v60;
	s17 =	smul.u32 $0x60, s17;
	s16 =	ssub.s32 s16, s20  }
0x1c: {  	s15 =	sadd.s32 s4, s15;
	[tilespmem:v0+s19+$0x0 ss:$0x1] =	vst.idx.msk $0xffff, v61;
	s20 =	sand.u32 $0x7, s16  }
0x1d: {  	[tilespmem:v0+s19+$0x10 ss:$0x1] =	vst.idx.msk $0xffff, v62;
	s15 =	sadd.s32 s17, s15;
	s16 =	sshrl.u32 s16, $0x3;
	s30 =	sshll.u32 s20, $0x12  }
0x1e: {  	[tilespmem:v0+s19+$0x20 ss:$0x1] =	vst.idx.msk $0xffff, v63;
	s15 =	sadd.s32 s16, s15;
	s31 =	sor.u32 $0x400, s30  }
0x1f: {  	[hbm4b:s15+s31] =	stream.strided.scatter [tilespmem:s18], [sflag:$0x2], $0x4000, s9, s31, $0x38;
	[tilespmem:$0x10000] =	vst v63  }
.LBB1_5:
0x20: {  	s18 =	sadd.s32 $0x80, s11  }
0x21: {  	s15 =	sadd.s32 $0x4, s12;
	s19 =	smov.u32 s12;
	p1 =	sgt.s32 s18, $0x2FF  }
0x22: {  	s19 =	smov.u32 @p1 s15  }
0x23: {  	s21 =	smov.u32 s13;
	s15 =	sadd.s32 $0x400, s13;
	p2 =	sgt.s32 s19, $0x31  }
0x24: {  	s21 =	smov.u32 @p2 s15  }
0x25: {  	s18 =	simm.s32 @p1 $0x0;
	p1 =	sgt.s32 s21, $0x3FF  }
0x26: {  	p0 =	slt.u32 s14, $0x2;
	s21 =	smov.u32 @p1 s1;
	p1 =	sne.s32 s14, s8  }
.Ltmp1:
0x27: {  	s20 =	simm.s32 @!p0 $0x2;
	(pc) =	sbr.rel @!p1 .LBB1_6-.Ltmp1, $4  }
0x28: {  	s16 =	smov.u32 s11;
	s17 =	smov.u32 s13;
	_ =	swait.ge @!p0 [sflag:s20], $0x4000  }
0x29: {  	s10 =	sadd.s32 $0x4000, s10;
	[sflag:s20] =	ssyncset.done @!p0 $0x0;
	s11 =	smov.u32 s18  }
0x2a: {  	s19 =	smov.u32 @p2 s2;
	s15 =	smov.u32 s12;
	[sflag:s20] =	ssyncadd.s32 @!p0 $0xFFFFC000  }
0x2b: {  	s12 =	smov.u32 s19;
	s14 =	sadd.s32 $0x1, s14;
	s13 =	smov.u32 s21  }
.LBB1_1:
0x2c: {  	p0 =	sge.u32 s14, s6  }
0x2d: {  	s18 =	sshrl.u32 @!p0 s12, $0x3  }
0x2e: {  	s19 =	sshll.u32 @!p0 s11, $0x3;
	s18 =	smul.u32 @!p0 $0x1800, s18  }
0x2f: {  	s20 =	sshll.u32 @!p0 s12, $0x7;
	s19 =	sand.u32 @!p0 $0xFFFFFC00, s19  }
0x30: {  	s18 =	sadd.s32 @!p0 s18, s19;
	s19 =	sand.u32 @!p0 $0x380, s20  }
0x31: {  	s18 =	sor.u32 @!p0 s19, s18  }
0x32: {  	s19 =	sand.u32 @!p0 $0x7F, s11;
	s20 =	smulhi.u32 @!p0 $0xAAAAAAAB, s18  }
0x33: {  	s18 =	sor.u32 @!p0 s19, s18  }
0x34: {  	s19 =	smulhi.u32 @!p0 $0xAAAAAAAB, s18;
	s20 =	sshrl.u32 @!p0 s20, $0x9  }
0x35: {  	s21 =	smulhi.u32 @!p0 $0x4924925, s20;
	_ =	sdelay $0x1  }
0x36: {  	s19 =	sshrl.u32 @!p0 s19, $0x9;
	s21 =	smul.u32 @!p0 $0x38, s21  }
0x37: {  	s31 =	sadd.s32 $0xFFFFFFFF, s14;
	s19 =	smul.u32 @!p0 $0x300, s19  }
0x38: {  	s22 =	sxor.u32 @!p0 $0xFFFFFFFF, s14;
	s20 =	ssub.s32 @!p0 s20, s21;
	s21 =	smul.u32 @!p0 $0x1500, s13  }
0x39: {  	s22 =	sshll.u32 @!p0 s22, $0xE;
	s18 =	ssub.s32 @!p0 s18, s19;
	s19 =	smul.u32 @!p0 $0x60, s20  }
0x3a: {  	s20 =	sand.u32 @!p0 $0x4000, s22;
	s22 =	sand.u32 @!p0 $0x7, s18;
	s21 =	sadd.s32 @!p0 s7, s21  }
0x3b: {  	s18 =	sshrl.u32 @!p0 s18, $0x3;
	s19 =	sadd.s32 @!p0 s19, s21;
	s21 =	sshll.u32 @!p0 s22, $0x12  }
0x3c: {  	s18 =	sadd.s32 @!p0 s18, s19;
	s19 =	sor.u32 @!p0 $0x80, s21;
	s21 =	simm.s32 @!p0 $0xA800  }
0x3d: {  	[tilespmem:s20], [sflag:$0x1] =	stream.strided.gather @!p0 [hbm4b:s18+s19], $0x4000, s21, s19, $0x38;
	[tilespmem:$0x10000] =	vst v63  }
0x3e: {  	p0 =	sge.u32 s31, s6  }
.Ltmp2:
0x3f: {  	_ = 	snop;
	(pc) =	sbr.rel @p0 .LBB1_5-.Ltmp2, $1  }
0x40: {  	_ =	sdelay $0x3  }
0x41: {  	s18 =	sand.u32 $0x4000, s10  }
0x42: {  	s19 =	sor.u32 $0x70, s18  }
0x43: {  	v1 =	vmov s19;
	_ =	sdelay $0x1  }
0x44: {  	_ =	swait.ge [sflag:s5], $0x4000  }
0x45: {  	[sflag:s5] =	ssyncset.done $0x0  }
0x46: {  	s20 =	simm.s32 $0x0;
	[sflag:s5] =	ssyncadd.s32 $0xFFFFC000  }
0x47: {  	s18 =	sor.u32 $0x8040, s18;
	v6 =	vld.idx.msk [tilespmem:v1+s20+$0x0 ss:$0x1], $0xffff  }
0x48: {  	v0 =	vmov s18;
	v8 =	vld.idx.msk [tilespmem:v1+s20+$0xFFFFFF90 ss:$0x1], $0xffff  }
0x49: {  	v7 =	vld.idx.msk [tilespmem:v1+s20+$0xFFFFFFA0 ss:$0x1], $0xffff  }
0x4a: {  	v5 =	vld.idx.msk [tilespmem:v1+s20+$0xFFFFFFB0 ss:$0x1], $0xffff  }
0x4b: {  	v4 =	vld.idx.msk [tilespmem:v1+s20+$0xFFFFFFC0 ss:$0x1], $0xffff  }
0x4c: {  	s31 =	sshll.u32 s14, $0xE;
	v2 =	vld.idx.msk [tilespmem:v1+s20+$0xFFFFFFD0 ss:$0x1], $0xffff  }
0x4d: {  	s18 =	sand.u32 $0x4000, s31;
	v3 =	vld.idx.msk [tilespmem:v1+s20+$0xFFFFFFE0 ss:$0x1], $0xffff;
	[tilespmem:v0+s20+$0x30 ss:$0x1] =	vst.idx.msk $0xffff, v6  }
0x4e: {  	s21 =	simm.s32 $0x400;
	s19 =	simm.s32 $0x80;
	s18 =	sor.u32 $0x8000, s18;
	[tilespmem:v0+s20+$0xFFFFFFC0 ss:$0x1] =	vst.idx.msk $0xffff, v8;
	v6 =	vld.idx.msk [tilespmem:v1+s20+$0xFFFFFFF0 ss:$0x1], $0xffff  }
.LBB1_3:
0x4f: {  	p0 =	sne.s32 s21, $0xFE00;
	v8 =	vld.idx.msk [tilespmem:v1+s19+$0x0 ss:$0x1], $0xffff;
	[tilespmem:v0+s20+$0xFFFFFFD0 ss:$0x1] =	vst.idx.msk $0xffff, v7  }
0x50: {  	v9 =	vld.idx.msk [tilespmem:v1+s19+$0xFFFFFF90 ss:$0x1], $0xffff;
	[tilespmem:v0+s20+$0xFFFFFFE0 ss:$0x1] =	vst.idx.msk $0xffff, v5  }
0x51: {  	v7 =	vld.idx.msk [tilespmem:v1+s19+$0xFFFFFFA0 ss:$0x1], $0xffff;
	[tilespmem:v0+s20+$0xFFFFFFF0 ss:$0x1] =	vst.idx.msk $0xffff, v4  }
.Ltmp3:
0x52: {  	v5 =	vld.idx.msk [tilespmem:v1+s19+$0xFFFFFFB0 ss:$0x1], $0xffff;
	[tilespmem:v0+s20+$0x0 ss:$0x1] =	vst.idx.msk $0xffff, v2;
	(pc) =	sbr.rel @p0 .LBB1_3-.Ltmp3, $4  }
0x53: {  	v4 =	vld.idx.msk [tilespmem:v1+s19+$0xFFFFFFC0 ss:$0x1], $0xffff;
	[tilespmem:v0+s20+$0x10 ss:$0x1] =	vst.idx.msk $0xffff, v3  }
0x54: {  	v2 =	vld.idx.msk [tilespmem:v1+s19+$0xFFFFFFD0 ss:$0x1], $0xffff;
	[tilespmem:v0+s20+$0x20 ss:$0x1] =	vst.idx.msk $0xffff, v6;
	s20 =	smov.u32 s19  }
0x55: {  	v3 =	vld.idx.msk [tilespmem:v1+s20+$0xFFFFFFE0 ss:$0x1], $0xffff;
	[tilespmem:v0+s20+$0x30 ss:$0x1] =	vst.idx.msk $0xffff, v8  }
0x56: {  	s19 =	sshra.s32 s21, $0x2;
	s21 =	sadd.s32 $0x200, s21;
	[tilespmem:v0+s20+$0xFFFFFFC0 ss:$0x1] =	vst.idx.msk $0xffff, v9;
	v6 =	vld.idx.msk [tilespmem:v1+s20+$0xFFFFFFF0 ss:$0x1], $0xffff  }
.Ltmp4:
0x57: {  	_ = 	snop;
	(pc) =	sbr.rel .LBB1_4-.Ltmp4, $1  }
0x58: {  	_ =	sdelay $0x3  }
.LBB1_6:
0x59: {  	_ =	sfence.sel $0x180000  }
0x5a: {  	s1 =	simm.s32 $0x1;
	[bflag:$0x0] =	sbarrier.arrive $0xFFFF  }
0x5b: {  	s31 =	simm.s32 $0x2;
	[sflag:s1] =	ssyncpa.u1 $0x1  }
0x5c: {  	[sflag:s31] =	ssyncpa.u1 $0x1  }
0x5d: {  	p0 =	sne.s32 s0, $0x0;
	_ =	strace $0x9000004A  }
0x5e: {  	s0 =	sadd.s32 @!p0 $0x100000, s3;
	[bflag:$0x2] =	sbarrier.arrive $0xFFFF  }
0x5f: {  	[sflag:s0] =	ssyncadd.tile.s32 @!p0 $0x1;
	_ =	shalt  }
.Lfunc_end1:
_tile_overlayer_lowered:
.L_overlay_start_2:
0x60: {  	(tag) =	ssettag $0x2  }
0x61: {  	s0 =	rddreg [dreg:$0x0];
	s2 =	stileid.u32  }
0x62: {  	s1 =	rddreg [dreg:$0x1];
	p0 =	sne.s32 s2, $0x0  }
0x63: {  	s3 =	rddreg [dreg:$0x2];
	[bflag:$0x3] =	sbarrier.arrive $0xFFFF;
	s2 =	simm.s32 @!p0 $0x1C01  }
0x64: {  	[timem:s3], [sflag:s2] =	dma.local @!p0 [hbm:s0], s1  }
0x65: {  	s0 =	simm.s32 @!p0 $0x1  }
0x66: {  	_ =	swait.ge @!p0 [sflag:s0], s1  }
0x67: {  	s1 =	ssub.s32 @!p0 $0x0, s1;
	[sflag:s0] =	ssyncset.done @!p0 $0x0  }
0x68: {  	[sflag:s0] =	ssyncadd.s32 @!p0 s1  }
0x69: {  	[bflag:$0x3] =	sbarrier.arrive $0xFFFF  }
0x6a: {  	_ =	shalt  }

</sc_bundles>
